<compile_context>
chip_gen: v7x
topology: tpu7x:2x2x1
jax: 0.10.2.dev20260603
libtpu: 0.0.44.dev20260713+nightly
codegen_flags: <defaults>
</compile_context>

<pallas_src>
import functools

import jax
import jax.numpy as jnp
from jax import lax
from jax.experimental import pallas as pl
from jax.experimental.pallas import tpu as pltpu
from jax.experimental.pallas import tpu_sc as plsc

N = 10000
E = 320000
D = 128
G = 64
H = 64
WACC = 80
NC = 2
NS = 16
NW = NC * NS
EPT = E // NW
K = 80
NCHUNK = EPT // K
NBUF = 5


def _bits16(x):
    bf = x.astype(jnp.bfloat16)
    return lax.bitcast_convert_type(bf, jnp.int16).astype(jnp.int32) & 0xFFFF


def _table_body(x_ref, w_ref, b_ref, ta_ref, tb_ref):
    ab = jnp.dot(x_ref[...], w_ref[...],
                 preferred_element_type=jnp.float32,
                 precision=lax.Precision.HIGHEST) + b_ref[...]
    a_lo = _bits16(ab[:, 0:32])
    a_hi = _bits16(ab[:, 32:64])
    b_lo = _bits16(ab[:, 64:96])
    b_hi = _bits16(ab[:, 96:128])
    ta_ref[...] = a_lo | (a_hi << 16)
    tb_ref[...] = b_lo | (b_hi << 16)


def _make_table(x, wcat, bcat):
    blk = 1000
    return pl.pallas_call(
        _table_body,
        grid=(N // blk,),
        in_specs=[
            pl.BlockSpec((blk, D), lambda i: (i, 0)),
            pl.BlockSpec((D, 2 * H), lambda i: (0, 0)),
            pl.BlockSpec((1, 2 * H), lambda i: (0, 0)),
        ],
        out_specs=[
            pl.BlockSpec((blk, H // 2), lambda i: (i, 0)),
            pl.BlockSpec((blk, H // 2), lambda i: (i, 0)),
        ],
        out_shape=[
            jax.ShapeDtypeStruct((N, H // 2), jnp.int32),
            jax.ShapeDtypeStruct((N, H // 2), jnp.int32),
        ],
    )(x, wcat, bcat)


def _edge_body(ta_hbm, tb_hbm, batch_hbm, src_hbm, dst_hbm, out_hbm,
               batch_v, src_v, dst_v, buf_s, buf_d, buf_o, kidx,
               acc_sp, gsems, ssems):
    c = lax.axis_index("c")
    s = lax.axis_index("s")
    wid = c * NS + s
    band = s * G

    pltpu.sync_copy(batch_hbm, batch_v)
    pltpu.sync_copy(src_hbm.at[wid], src_v)
    pltpu.sync_copy(dst_hbm.at[wid], dst_v)

    zvec = jnp.zeros((16,), jnp.float32)

    def zrow(j, carry):
        for r in range(WACC // 16):
            buf_o[0, j, pl.ds(16 * r, 16)] = zvec
        return carry

    lax.fori_loop(0, G, zrow, 0)
    pltpu.sync_copy(buf_o.at[0, pl.ds(0, G)], acc_sp.at[pl.ds(band, G)])

    ii = lax.iota(jnp.int32, 16)
    e1 = jnp.where(ii == 0, jnp.float32(1.0), jnp.float32(0.0))

    def initrow(j, carry):
        for b in range(NBUF):
            buf_o[b, j, pl.ds(H, 16)] = e1
        return carry

    lax.fori_loop(0, K, initrow, 0)

    def gfire(ci, b):
        pltpu.async_copy(ta_hbm.at[src_v.at[ci]], buf_s.at[b], gsems.at[b])
        pltpu.async_copy(tb_hbm.at[dst_v.at[ci]], buf_d.at[b], gsems.at[b])

    def gwait(ci, b):
        pltpu.make_async_copy(ta_hbm.at[src_v.at[ci]], buf_s.at[b],
                              gsems.at[b]).wait()
        pltpu.make_async_copy(tb_hbm.at[dst_v.at[ci]], buf_d.at[b],
                              gsems.at[b]).wait()

    def sfire(ci, b):
        pltpu.async_copy(buf_o.at[b], acc_sp.at[kidx.at[b]], ssems.at[b],
                         add=True)

    def swait(ci, b):
        pltpu.make_async_copy(buf_o.at[b], acc_sp.at[kidx.at[b]],
                              ssems.at[b]).wait()

    def compute(ci, b):
        hmask = jnp.int32(-65536)
        zero = jnp.zeros((16,), jnp.float32)

        def grp_body(m, inner):
            srcs16 = src_v[ci, pl.ds(16 * m, 16)]
            g16 = plsc.load_gather(batch_v, [srcs16])
            kidx[b, pl.ds(16 * m, 16)] = g16 + band
            for jl in range(0):
                j = 16 * m + jl
                for r in range(2):
                    va = buf_s[b, j, pl.ds(16 * r, 16)]
                    vb = buf_d[b, j, pl.ds(16 * r, 16)]
                    alo = plsc.bitcast(va << 16, jnp.float32)
                    blo = plsc.bitcast(vb << 16, jnp.float32)
                    ahi = plsc.bitcast(va & hmask, jnp.float32)
                    bhi = plsc.bitcast(vb & hmask, jnp.float32)
                    buf_o[b, j, pl.ds(16 * r, 16)] = jnp.maximum(
                        alo + blo, zero)
                    buf_o[b, j, pl.ds(32 + 16 * r, 16)] = jnp.maximum(
                        ahi + bhi, zero)
            return inner

        lax.fori_loop(0, K // 16, grp_body, 0)

    for b in range(NBUF - 1):
        gfire(b, b)

    def super_body(q, carry):
        base = NBUF * q
        for b in range(NBUF):
            ci = base + b
            nxt = ci + NBUF - 1

            @pl.when(nxt < NCHUNK)
            def _():
                gfire(nxt, (b + NBUF - 1) % NBUF)

            gwait(ci, b)

            @pl.when(ci >= NBUF)
            def _():
                swait(ci - NBUF, b)

            compute(ci, b)
            sfire(ci, b)
        return carry

    lax.fori_loop(0, NCHUNK // NBUF, super_body, 0)
    for b in range(NBUF):
        swait(NCHUNK - NBUF + b, b)

    pltpu.sync_copy(acc_sp.at[pl.ds(band, G)], out_hbm.at[wid])


_edge_kernel = functools.partial(
    pl.kernel,
    out_type=jax.ShapeDtypeStruct((NW, G, WACC), jnp.float32),
    mesh=plsc.VectorSubcoreMesh(core_axis_name="c", subcore_axis_name="s"),
    compiler_params=pltpu.CompilerParams(needs_layout_passes=False,
                                         use_tc_tiling_on_sc=False),
    scratch_types=[
        pltpu.VMEM((N,), jnp.int32),
        pltpu.VMEM((NCHUNK, K), jnp.int32),
        pltpu.VMEM((NCHUNK, K), jnp.int32),
        pltpu.VMEM((NBUF, K, H // 2), jnp.int32),
        pltpu.VMEM((NBUF, K, H // 2), jnp.int32),
        pltpu.VMEM((NBUF, K, WACC), jnp.float32),
        pltpu.VMEM((NBUF, K), jnp.int32),
        pltpu.VMEM_SHARED((NS * G, WACC), jnp.float32),
        pltpu.SemaphoreType.DMA((NBUF,)),
        pltpu.SemaphoreType.DMA((NBUF,)),
    ],
)(_edge_body)


def _head_body(acc_ref, w2_ref, b2_ref, wm1_ref, bm1_ref,
               wm2_ref, bm2_ref, out_ref):
    acc = acc_ref[0]
    for t in range(1, NW):
        acc = acc + acc_ref[t]
    seg = acc[:, :H]
    cnt = acc[:, H:H + 1]
    pooled = jnp.dot(seg, w2_ref[...],
                     preferred_element_type=jnp.float32,
                     precision=lax.Precision.HIGHEST) + cnt * b2_ref[...]
    h2 = jnp.maximum(
        jnp.dot(pooled, wm1_ref[...],
                preferred_element_type=jnp.float32,
                precision=lax.Precision.HIGHEST) + bm1_ref[...], 0.0)
    out_ref[...] = jnp.dot(h2, wm2_ref[...],
                           preferred_element_type=jnp.float32,
                           precision=lax.Precision.HIGHEST) + bm2_ref[...]


def _head(acc, W2, b2, Wm1, bm1, Wm2, bm2):
    return pl.pallas_call(
        _head_body,
        out_shape=jax.ShapeDtypeStruct((G, 8), jnp.float32),
    )(acc, W2, b2.reshape(1, -1), Wm1, bm1.reshape(1, -1),
      Wm2, bm2.reshape(1, -1))


@jax.jit
def kernel(x, edge_index, batch, W1, b1, W2, b2, Wm1, bm1, Wm2, bm2):
    wcat = jnp.concatenate([W1[:D], W1[D:]], axis=1)
    bcat = jnp.concatenate([b1, jnp.zeros((H,), jnp.float32)]).reshape(1, -1)
    ta, tb = _make_table(x, wcat, bcat)
    src3 = edge_index[0].reshape(NW, NCHUNK, K)
    dst3 = edge_index[1].reshape(NW, NCHUNK, K)
    acc = _edge_kernel(ta, tb, batch, src3, dst3)
    return _head(acc, W2, b2, Wm1, bm1, Wm2, bm2)

# --- scband reference (transcript-rebuilt; emitter-appended) ---
"""Pipeline reference for scband-classical-mpgnn-21930103013841 (READ-ONLY COPY).

The authoritative reference and input builder live on the scoring server;
editing this copy changes nothing except your own understanding.
"""

import jax, jax.numpy as jnp
import numpy as np

N = 10000
E = 320000
D = 128
G = 64
PHI_IN = 2 * D      # 256
PHI_HID = 64
PHI_OUT = 128
SCORE_DIM = 8


def setup_inputs(seed: int = 0) -> dict:
    key = jax.random.key(seed)
    ks = jax.random.split(key, 12)
    x = jax.random.normal(ks[0], (N, D), dtype=jnp.float32)
    edge_index = jax.random.randint(ks[1], (2, E), 0, N, dtype=jnp.int32)
    batch = jnp.sort(jax.random.randint(ks[2], (N,), 0, G, dtype=jnp.int32))
    # phi MLP params: Linear(256,64) -> ReLU -> Linear(64,128)
    W1 = jax.random.normal(ks[3], (PHI_IN, PHI_HID), dtype=jnp.float32) * (1.0 / np.sqrt(PHI_IN))
    b1 = jnp.zeros((PHI_HID,), dtype=jnp.float32)
    W2 = jax.random.normal(ks[4], (PHI_HID, PHI_OUT), dtype=jnp.float32) * (1.0 / np.sqrt(PHI_HID))
    b2 = jnp.zeros((PHI_OUT,), dtype=jnp.float32)
    # head MLP: Linear(128,16) -> ReLU -> Linear(16,8)
    Wm1 = jax.random.normal(ks[5], (PHI_OUT, 16), dtype=jnp.float32) * (1.0 / np.sqrt(PHI_OUT))
    bm1 = jnp.zeros((16,), dtype=jnp.float32)
    Wm2 = jax.random.normal(ks[6], (16, SCORE_DIM), dtype=jnp.float32) * (1.0 / np.sqrt(16))
    bm2 = jnp.zeros((SCORE_DIM,), dtype=jnp.float32)
    return {"x": x, "edge_index": edge_index, "batch": batch,
            "W1": W1, "b1": b1, "W2": W2, "b2": b2,
            "Wm1": Wm1, "bm1": bm1, "Wm2": Wm2, "bm2": bm2}


def reference(x, edge_index, batch, W1, b1, W2, b2, Wm1, bm1, Wm2, bm2):
    # flow='target_to_source': x_i = x[edge_index[0]], x_j = x[edge_index[1]],
    # messages aggregated ('add') at index i = edge_index[0]
    src = edge_index[0]
    dst = edge_index[1]
    x_i = jnp.take(x, src, axis=0)
    x_j = jnp.take(x, dst, axis=0)
    m = jnp.concatenate([x_i, x_j], axis=-1)          # [E, 256]
    h = jax.nn.relu(m @ W1 + b1)                      # [E, 64]
    msg = h @ W2 + b2                                 # [E, 128]
    node_out = jax.ops.segment_sum(msg, src, num_segments=N)   # scatter-add to nodes
    pooled = jax.ops.segment_sum(node_out, batch, num_segments=G)  # global_add_pool
    h2 = jax.nn.relu(pooled @ Wm1 + bm1)
    out = h2 @ Wm2 + bm2                              # [G, 8]
    return out

if __name__ == "__main__":
    import jax
    _d = setup_inputs()
    print(jax.jit(kernel)(*tuple(_d.values())))

</pallas_src>

<mosaic_0001>
#map = affine_map<(d0, d1) -> (0, 0)>
#map1 = affine_map<(d0, d1) -> (0)>
#map2 = affine_map<(d0, d1) -> (0, 0, 0)>
module attributes {stable_mosaic.version = 14 : i64} {
  func.func @_edge_body(%arg0: i32, %arg1: i32, %arg2: memref<10000x32xi32, #tpu.memory_space<hbm>>, %arg3: memref<10000x32xi32, #tpu.memory_space<hbm>>, %arg4: memref<10000xi32, #tpu.memory_space<hbm>>, %arg5: memref<32x125x80xi32, #tpu.memory_space<hbm>>, %arg6: memref<32x125x80xi32, #tpu.memory_space<hbm>>, %arg7: memref<32x64x80xf32, #tpu.memory_space<hbm>>, %arg8: memref<10000xi32, #tpu.memory_space<vmem>>, %arg9: memref<125x80xi32, #tpu.memory_space<vmem>>, %arg10: memref<125x80xi32, #tpu.memory_space<vmem>>, %arg11: memref<5x80x32xi32, #tpu.memory_space<vmem>>, %arg12: memref<5x80x32xi32, #tpu.memory_space<vmem>>, %arg13: memref<5x80x80xf32, #tpu.memory_space<vmem>>, %arg14: memref<5x80xi32, #tpu.memory_space<vmem>>, %arg15: memref<1024x80xf32, #tpu.memory_space<vmem_shared>>, %arg16: memref<5x!tpu.dma_semaphore, #tpu.memory_space<semaphore_mem>>, %arg17: memref<5x!tpu.dma_semaphore, #tpu.memory_space<semaphore_mem>>) attributes {dimension_semantics = [#tpu.dimension_semantics<core_parallel>, #tpu.dimension_semantics<subcore_parallel>], iteration_bounds = array<i64: 2, 16>, scalar_prefetch = 0 : i64, scratch_operands = 10 : i64, tpu.core_type = #tpu.core_type<sc_vector_subcore>, window_params = [{transform_indices = #map}, {transform_indices = #map}, {transform_indices = #map1}, {transform_indices = #map2}, {transform_indices = #map2}, {transform_indices = #map2}]} {
    %mul3A = arith.constant 16 : i32
    %mul3A_0 = arith.muli %arg0, %mul3A : i32
    %add3A = arith.addi %mul3A_0, %arg1 : i32
    %mul3A_1 = arith.constant 64 : i32
    %mul3A_2 = arith.muli %arg1, %mul3A_1 : i32
    "tpu.region"() ({
      %run_scoped3A_219 = tpu.sem_alloc : memref<!tpu.dma_semaphore, #tpu.memory_space<semaphore_mem>>
      tpu.enqueue_dma source(%arg4 : memref<10000xi32, #tpu.memory_space<hbm>>) target(%arg8 : memref<10000xi32, #tpu.memory_space<vmem>>) target_semaphore(%run_scoped3A_219 : memref<!tpu.dma_semaphore, #tpu.memory_space<semaphore_mem>>)
      tpu.wait_dma2 semaphore(%run_scoped3A_219 : memref<!tpu.dma_semaphore, #tpu.memory_space<semaphore_mem>>) src(%arg4 : memref<10000xi32, #tpu.memory_space<hbm>>) dst(%arg8 : memref<10000xi32, #tpu.memory_space<vmem>>)
      tpu.yield
    }) : () -> ()
    "tpu.region"() ({
      %run_scoped3A_219 = tpu.sem_alloc : memref<!tpu.dma_semaphore, #tpu.memory_space<semaphore_mem>>
      %dma_start3A_220 = arith.constant 0 : i32
      %dma_start3A_221 = arith.constant 0 : i32
      %dma_start3A_222 = tpu.memref_slice %arg5[%add3A, %dma_start3A_220, %dma_start3A_221] : memref<32x125x80xi32, #tpu.memory_space<hbm>> -> memref<1x125x80xi32, #tpu.memory_space<hbm>>
      %dma_start3A_223 = tpu.memref_squeeze %dma_start3A_222 : memref<1x125x80xi32, #tpu.memory_space<hbm>> -> memref<125x80xi32, #tpu.memory_space<hbm>>
      %dma_start3A_224 = arith.constant 0 : i32
      %dma_start3A_225 = arith.constant 0 : i32
      %dma_start3A_226 = tpu.memref_slice %arg5[%add3A, %dma_start3A_224, %dma_start3A_225] : memref<32x125x80xi32, #tpu.memory_space<hbm>> -> memref<1x125x80xi32, #tpu.memory_space<hbm>>
      %dma_start3A_227 = tpu.memref_squeeze %dma_start3A_226 : memref<1x125x80xi32, #tpu.memory_space<hbm>> -> memref<125x80xi32, #tpu.memory_space<hbm>>
      tpu.enqueue_dma source(%dma_start3A_227 : memref<125x80xi32, #tpu.memory_space<hbm>>) target(%arg9 : memref<125x80xi32, #tpu.memory_space<vmem>>) target_semaphore(%run_scoped3A_219 : memref<!tpu.dma_semaphore, #tpu.memory_space<semaphore_mem>>)
      %dma_wait3A_228 = arith.constant 0 : i32
      %dma_wait3A_229 = arith.constant 0 : i32
      %dma_wait3A_230 = tpu.memref_slice %arg5[%add3A, %dma_wait3A_228, %dma_wait3A_229] : memref<32x125x80xi32, #tpu.memory_space<hbm>> -> memref<1x125x80xi32, #tpu.memory_space<hbm>>
      %dma_wait3A_231 = tpu.memref_squeeze %dma_wait3A_230 : memref<1x125x80xi32, #tpu.memory_space<hbm>> -> memref<125x80xi32, #tpu.memory_space<hbm>>
      %dma_wait3A_232 = arith.constant 0 : i32
      %dma_wait3A_233 = arith.constant 0 : i32
      %dma_wait3A_234 = tpu.memref_slice %arg5[%add3A, %dma_wait3A_232, %dma_wait3A_233] : memref<32x125x80xi32, #tpu.memory_space<hbm>> -> memref<1x125x80xi32, #tpu.memory_space<hbm>>
      %dma_wait3A_235 = tpu.memref_squeeze %dma_wait3A_234 : memref<1x125x80xi32, #tpu.memory_space<hbm>> -> memref<125x80xi32, #tpu.memory_space<hbm>>
      tpu.wait_dma2 semaphore(%run_scoped3A_219 : memref<!tpu.dma_semaphore, #tpu.memory_space<semaphore_mem>>) src(%dma_wait3A_235 : memref<125x80xi32, #tpu.memory_space<hbm>>) dst(%arg9 : memref<125x80xi32, #tpu.memory_space<vmem>>)
      tpu.yield
    }) : () -> ()
    "tpu.region"() ({
      %run_scoped3A_219 = tpu.sem_alloc : memref<!tpu.dma_semaphore, #tpu.memory_space<semaphore_mem>>
      %dma_start3A_220 = arith.constant 0 : i32
      %dma_start3A_221 = arith.constant 0 : i32
      %dma_start3A_222 = tpu.memref_slice %arg6[%add3A, %dma_start3A_220, %dma_start3A_221] : memref<32x125x80xi32, #tpu.memory_space<hbm>> -> memref<1x125x80xi32, #tpu.memory_space<hbm>>
      %dma_start3A_223 = tpu.memref_squeeze %dma_start3A_222 : memref<1x125x80xi32, #tpu.memory_space<hbm>> -> memref<125x80xi32, #tpu.memory_space<hbm>>
      %dma_start3A_224 = arith.constant 0 : i32
      %dma_start3A_225 = arith.constant 0 : i32
      %dma_start3A_226 = tpu.memref_slice %arg6[%add3A, %dma_start3A_224, %dma_start3A_225] : memref<32x125x80xi32, #tpu.memory_space<hbm>> -> memref<1x125x80xi32, #tpu.memory_space<hbm>>
      %dma_start3A_227 = tpu.memref_squeeze %dma_start3A_226 : memref<1x125x80xi32, #tpu.memory_space<hbm>> -> memref<125x80xi32, #tpu.memory_space<hbm>>
      tpu.enqueue_dma source(%dma_start3A_227 : memref<125x80xi32, #tpu.memory_space<hbm>>) target(%arg10 : memref<125x80xi32, #tpu.memory_space<vmem>>) target_semaphore(%run_scoped3A_219 : memref<!tpu.dma_semaphore, #tpu.memory_space<semaphore_mem>>)
      %dma_wait3A_228 = arith.constant 0 : i32
      %dma_wait3A_229 = arith.constant 0 : i32
      %dma_wait3A_230 = tpu.memref_slice %arg6[%add3A, %dma_wait3A_228, %dma_wait3A_229] : memref<32x125x80xi32, #tpu.memory_space<hbm>> -> memref<1x125x80xi32, #tpu.memory_space<hbm>>
      %dma_wait3A_231 = tpu.memref_squeeze %dma_wait3A_230 : memref<1x125x80xi32, #tpu.memory_space<hbm>> -> memref<125x80xi32, #tpu.memory_space<hbm>>
      %dma_wait3A_232 = arith.constant 0 : i32
      %dma_wait3A_233 = arith.constant 0 : i32
      %dma_wait3A_234 = tpu.memref_slice %arg6[%add3A, %dma_wait3A_232, %dma_wait3A_233] : memref<32x125x80xi32, #tpu.memory_space<hbm>> -> memref<1x125x80xi32, #tpu.memory_space<hbm>>
      %dma_wait3A_235 = tpu.memref_squeeze %dma_wait3A_234 : memref<1x125x80xi32, #tpu.memory_space<hbm>> -> memref<125x80xi32, #tpu.memory_space<hbm>>
      tpu.wait_dma2 semaphore(%run_scoped3A_219 : memref<!tpu.dma_semaphore, #tpu.memory_space<semaphore_mem>>) src(%dma_wait3A_235 : memref<125x80xi32, #tpu.memory_space<hbm>>) dst(%arg10 : memref<125x80xi32, #tpu.memory_space<vmem>>)
      tpu.yield
    }) : () -> ()
    %broadcast_in_dim3A = arith.constant 0.000000e+00 : f32
    %broadcast_in_dim3A_3 = vector.broadcast %broadcast_in_dim3A : f32 to vector<16xf32>
    %scan3A = arith.constant 0 : i32
    %scan3A_4 = arith.constant 0 : i32
    %scan3A_5 = arith.constant 64 : i32
    %scan3A_6 = arith.addi %scan3A_4, %scan3A_5 : i32
    %scan3A_7 = arith.constant 1 : i32
    scf.for %scan3A_219 = %scan3A_4 to %scan3A_6 step %scan3A_7  : i32 {
      %swap3A = arith.constant 0 : i32
      %swap3A_220 = arith.index_cast %swap3A : i32 to index
      %swap3A_221 = arith.index_cast %scan3A_219 : i32 to index
      %swap3A_222 = arith.constant 0 : index
      %swap3A_223 = tpu.vector_load %arg13[%swap3A_220, %swap3A_221, %swap3A_222] {strides = array<i32>} : memref<5x80x80xf32, #tpu.memory_space<vmem>>, vector<16xf32>,
      tpu.vector_store %arg13[%swap3A_220, %swap3A_221, %swap3A_222], %broadcast_in_dim3A_3 {strides = array<i32>} : memref<5x80x80xf32, #tpu.memory_space<vmem>>, vector<16xf32>,
      %swap3A_224 = arith.constant 0 : i32
      %swap3A_225 = arith.index_cast %swap3A_224 : i32 to index
      %swap3A_226 = arith.index_cast %scan3A_219 : i32 to index
      %swap3A_227 = arith.constant 16 : index
      %swap3A_228 = tpu.vector_load %arg13[%swap3A_225, %swap3A_226, %swap3A_227] {strides = array<i32>} : memref<5x80x80xf32, #tpu.memory_space<vmem>>, vector<16xf32>,
      tpu.vector_store %arg13[%swap3A_225, %swap3A_226, %swap3A_227], %broadcast_in_dim3A_3 {strides = array<i32>} : memref<5x80x80xf32, #tpu.memory_space<vmem>>, vector<16xf32>,
      %swap3A_229 = arith.constant 0 : i32
      %swap3A_230 = arith.index_cast %swap3A_229 : i32 to index
      %swap3A_231 = arith.index_cast %scan3A_219 : i32 to index
      %swap3A_232 = arith.constant 32 : index
      %swap3A_233 = tpu.vector_load %arg13[%swap3A_230, %swap3A_231, %swap3A_232] {strides = array<i32>} : memref<5x80x80xf32, #tpu.memory_space<vmem>>, vector<16xf32>,
      tpu.vector_store %arg13[%swap3A_230, %swap3A_231, %swap3A_232], %broadcast_in_dim3A_3 {strides = array<i32>} : memref<5x80x80xf32, #tpu.memory_space<vmem>>, vector<16xf32>,
      %swap3A_234 = arith.constant 0 : i32
      %swap3A_235 = arith.index_cast %swap3A_234 : i32 to index
      %swap3A_236 = arith.index_cast %scan3A_219 : i32 to index
      %swap3A_237 = arith.constant 48 : index
      %swap3A_238 = tpu.vector_load %arg13[%swap3A_235, %swap3A_236, %swap3A_237] {strides = array<i32>} : memref<5x80x80xf32, #tpu.memory_space<vmem>>, vector<16xf32>,
      tpu.vector_store %arg13[%swap3A_235, %swap3A_236, %swap3A_237], %broadcast_in_dim3A_3 {strides = array<i32>} : memref<5x80x80xf32, #tpu.memory_space<vmem>>, vector<16xf32>,
      %swap3A_239 = arith.constant 0 : i32
      %swap3A_240 = arith.index_cast %swap3A_239 : i32 to index
      %swap3A_241 = arith.index_cast %scan3A_219 : i32 to index
      %swap3A_242 = arith.constant 64 : index
      %swap3A_243 = tpu.vector_load %arg13[%swap3A_240, %swap3A_241, %swap3A_242] {strides = array<i32>} : memref<5x80x80xf32, #tpu.memory_space<vmem>>, vector<16xf32>,
      tpu.vector_store %arg13[%swap3A_240, %swap3A_241, %swap3A_242], %broadcast_in_dim3A_3 {strides = array<i32>} : memref<5x80x80xf32, #tpu.memory_space<vmem>>, vector<16xf32>,
    }
    %scan3A_8 = arith.constant 64 : i32
    %run_scoped3A = arith.constant 0 : i32
    "tpu.region"() ({
      %run_scoped3A_219 = tpu.sem_alloc : memref<!tpu.dma_semaphore, #tpu.memory_space<semaphore_mem>>
      %dma_start3A_220 = arith.constant 0 : i32
      %dma_start3A_221 = arith.constant 0 : i32
      %dma_start3A_222 = tpu.memref_slice %arg13[%run_scoped3A, %dma_start3A_220, %dma_start3A_221] : memref<5x80x80xf32, #tpu.memory_space<vmem>> -> memref<1x64x80xf32, #tpu.memory_space<vmem>>
      %dma_start3A_223 = tpu.memref_squeeze %dma_start3A_222 : memref<1x64x80xf32, #tpu.memory_space<vmem>> -> memref<64x80xf32, #tpu.memory_space<vmem>>
      %dma_start3A_224 = arith.constant 0 : i32
      %dma_start3A_225 = tpu.memref_slice %arg15[%mul3A_2, %dma_start3A_224] : memref<1024x80xf32, #tpu.memory_space<vmem_shared>> -> memref<64x80xf32, #tpu.memory_space<vmem_shared>>
      %dma_start3A_226 = arith.constant 0 : i32
      %dma_start3A_227 = tpu.memref_slice %arg15[%mul3A_2, %dma_start3A_226] : memref<1024x80xf32, #tpu.memory_space<vmem_shared>> -> memref<64x80xf32, #tpu.memory_space<vmem_shared>>
      %dma_start3A_228 = arith.constant 0 : i32
      %dma_start3A_229 = arith.constant 0 : i32
      %dma_start3A_230 = tpu.memref_slice %arg13[%run_scoped3A, %dma_start3A_228, %dma_start3A_229] : memref<5x80x80xf32, #tpu.memory_space<vmem>> -> memref<1x64x80xf32, #tpu.memory_space<vmem>>
      %dma_start3A_231 = tpu.memref_squeeze %dma_start3A_230 : memref<1x64x80xf32, #tpu.memory_space<vmem>> -> memref<64x80xf32, #tpu.memory_space<vmem>>
      tpu.enqueue_dma source(%dma_start3A_231 : memref<64x80xf32, #tpu.memory_space<vmem>>) target(%dma_start3A_227 : memref<64x80xf32, #tpu.memory_space<vmem_shared>>) target_semaphore(%run_scoped3A_219 : memref<!tpu.dma_semaphore, #tpu.memory_space<semaphore_mem>>)
      %dma_wait3A_232 = arith.constant 0 : i32
      %dma_wait3A_233 = arith.constant 0 : i32
      %dma_wait3A_234 = tpu.memref_slice %arg13[%run_scoped3A, %dma_wait3A_232, %dma_wait3A_233] : memref<5x80x80xf32, #tpu.memory_space<vmem>> -> memref<1x64x80xf32, #tpu.memory_space<vmem>>
      %dma_wait3A_235 = tpu.memref_squeeze %dma_wait3A_234 : memref<1x64x80xf32, #tpu.memory_space<vmem>> -> memref<64x80xf32, #tpu.memory_space<vmem>>
      %dma_wait3A_236 = arith.constant 0 : i32
      %dma_wait3A_237 = tpu.memref_slice %arg15[%mul3A_2, %dma_wait3A_236] : memref<1024x80xf32, #tpu.memory_space<vmem_shared>> -> memref<64x80xf32, #tpu.memory_space<vmem_shared>>
      %dma_wait3A_238 = arith.constant 0 : i32
      %dma_wait3A_239 = tpu.memref_slice %arg15[%mul3A_2, %dma_wait3A_238] : memref<1024x80xf32, #tpu.memory_space<vmem_shared>> -> memref<64x80xf32, #tpu.memory_space<vmem_shared>>
      %dma_wait3A_240 = arith.constant 0 : i32
      %dma_wait3A_241 = arith.constant 0 : i32
      %dma_wait3A_242 = tpu.memref_slice %arg13[%run_scoped3A, %dma_wait3A_240, %dma_wait3A_241] : memref<5x80x80xf32, #tpu.memory_space<vmem>> -> memref<1x64x80xf32, #tpu.memory_space<vmem>>
      %dma_wait3A_243 = tpu.memref_squeeze %dma_wait3A_242 : memref<1x64x80xf32, #tpu.memory_space<vmem>> -> memref<64x80xf32, #tpu.memory_space<vmem>>
      tpu.wait_dma2 semaphore(%run_scoped3A_219 : memref<!tpu.dma_semaphore, #tpu.memory_space<semaphore_mem>>) src(%dma_wait3A_243 : memref<64x80xf32, #tpu.memory_space<vmem>>) dst(%dma_wait3A_239 : memref<64x80xf32, #tpu.memory_space<vmem_shared>>)
      tpu.yield
    }) : () -> ()
    %iota3A = tpu.iota {dimensions = array<i32: 0>} : vector<16xi32>
    %eq3A = arith.constant 0 : i32
    %eq3A_9 = vector.broadcast %eq3A : i32 to vector<16xi32>
    %eq3A_10 = arith.cmpi eq, %iota3A, %eq3A_9 : vector<16xi32>
    %jit3A = arith.constant 1.000000e+00 : f32
    %jit3A_11 = arith.constant 0.000000e+00 : f32
    %broadcast_in_dim3A_12 = vector.broadcast %jit3A : f32 to vector<16xf32>
    %broadcast_in_dim3A_13 = vector.broadcast %jit3A_11 : f32 to vector<16xf32>
    %select_n3A = arith.select %eq3A_10, %broadcast_in_dim3A_12, %broadcast_in_dim3A_13 : vector<16xi1>, vector<16xf32>
    %scan3A_14 = arith.constant 0 : i32
    %scan3A_15 = arith.constant 0 : i32
    %scan3A_16 = arith.constant 80 : i32
    %scan3A_17 = arith.addi %scan3A_15, %scan3A_16 : i32
    %scan3A_18 = arith.constant 1 : i32
    scf.for %scan3A_219 = %scan3A_15 to %scan3A_17 step %scan3A_18  : i32 {
      %swap3A = arith.constant 0 : i32
      %swap3A_220 = arith.index_cast %swap3A : i32 to index
      %swap3A_221 = arith.index_cast %scan3A_219 : i32 to index
      %swap3A_222 = arith.constant 64 : index
      %swap3A_223 = tpu.vector_load %arg13[%swap3A_220, %swap3A_221, %swap3A_222] {strides = array<i32>} : memref<5x80x80xf32, #tpu.memory_space<vmem>>, vector<16xf32>,
      tpu.vector_store %arg13[%swap3A_220, %swap3A_221, %swap3A_222], %select_n3A {strides = array<i32>} : memref<5x80x80xf32, #tpu.memory_space<vmem>>, vector<16xf32>,
      %swap3A_224 = arith.constant 1 : i32
      %swap3A_225 = arith.index_cast %swap3A_224 : i32 to index
      %swap3A_226 = arith.index_cast %scan3A_219 : i32 to index
      %swap3A_227 = arith.constant 64 : index
      %swap3A_228 = tpu.vector_load %arg13[%swap3A_225, %swap3A_226, %swap3A_227] {strides = array<i32>} : memref<5x80x80xf32, #tpu.memory_space<vmem>>, vector<16xf32>,
      tpu.vector_store %arg13[%swap3A_225, %swap3A_226, %swap3A_227], %select_n3A {strides = array<i32>} : memref<5x80x80xf32, #tpu.memory_space<vmem>>, vector<16xf32>,
      %swap3A_229 = arith.constant 2 : i32
      %swap3A_230 = arith.index_cast %swap3A_229 : i32 to index
      %swap3A_231 = arith.index_cast %scan3A_219 : i32 to index
      %swap3A_232 = arith.constant 64 : index
      %swap3A_233 = tpu.vector_load %arg13[%swap3A_230, %swap3A_231, %swap3A_232] {strides = array<i32>} : memref<5x80x80xf32, #tpu.memory_space<vmem>>, vector<16xf32>,
      tpu.vector_store %arg13[%swap3A_230, %swap3A_231, %swap3A_232], %select_n3A {strides = array<i32>} : memref<5x80x80xf32, #tpu.memory_space<vmem>>, vector<16xf32>,
      %swap3A_234 = arith.constant 3 : i32
      %swap3A_235 = arith.index_cast %swap3A_234 : i32 to index
      %swap3A_236 = arith.index_cast %scan3A_219 : i32 to index
      %swap3A_237 = arith.constant 64 : index
      %swap3A_238 = tpu.vector_load %arg13[%swap3A_235, %swap3A_236, %swap3A_237] {strides = array<i32>} : memref<5x80x80xf32, #tpu.memory_space<vmem>>, vector<16xf32>,
      tpu.vector_store %arg13[%swap3A_235, %swap3A_236, %swap3A_237], %select_n3A {strides = array<i32>} : memref<5x80x80xf32, #tpu.memory_space<vmem>>, vector<16xf32>,
      %swap3A_239 = arith.constant 4 : i32
      %swap3A_240 = arith.index_cast %swap3A_239 : i32 to index
      %swap3A_241 = arith.index_cast %scan3A_219 : i32 to index
      %swap3A_242 = arith.constant 64 : index
      %swap3A_243 = tpu.vector_load %arg13[%swap3A_240, %swap3A_241, %swap3A_242] {strides = array<i32>} : memref<5x80x80xf32, #tpu.memory_space<vmem>>, vector<16xf32>,
      tpu.vector_store %arg13[%swap3A_240, %swap3A_241, %swap3A_242], %select_n3A {strides = array<i32>} : memref<5x80x80xf32, #tpu.memory_space<vmem>>, vector<16xf32>,
    }
    %scan3A_19 = arith.constant 80 : i32
    %dma_start3A = arith.constant 0 : i32
    %dma_start3A_20 = arith.constant 0 : i32
    %dma_start3A_21 = arith.constant 0 : i32
    %dma_start3A_22 = arith.constant 0 : i32
    %dma_start3A_23 = arith.constant 0 : i32
    %dma_start3A_24 = tpu.memref_slice %arg11[%dma_start3A_20, %dma_start3A_22, %dma_start3A_23] : memref<5x80x32xi32, #tpu.memory_space<vmem>> -> memref<1x80x32xi32, #tpu.memory_space<vmem>>
    %dma_start3A_25 = tpu.memref_squeeze %dma_start3A_24 : memref<1x80x32xi32, #tpu.memory_space<vmem>> -> memref<80x32xi32, #tpu.memory_space<vmem>>
    %dma_start3A_26 = arith.constant 0 : i32
    %dma_start3A_27 = tpu.memref_slice %arg9[%dma_start3A, %dma_start3A_26] : memref<125x80xi32, #tpu.memory_space<vmem>> -> memref<1x80xi32, #tpu.memory_space<vmem>>
    %dma_start3A_28 = tpu.memref_squeeze %dma_start3A_27 : memref<1x80xi32, #tpu.memory_space<vmem>> -> memref<80xi32, #tpu.memory_space<vmem>>
    %dma_start3A_29 = arith.constant 0 : i32
    %dma_start3A_30 = arith.constant 0 : i32
    %dma_start3A_31 = tpu.memref_slice %arg2[%dma_start3A_29, %dma_start3A_30] : memref<10000x32xi32, #tpu.memory_space<hbm>> -> memref<10000x32xi32, #tpu.memory_space<hbm>>
    %dma_start3A_32 = tpu.memref_slice %arg16[%dma_start3A_21] : memref<5x!tpu.dma_semaphore, #tpu.memory_space<semaphore_mem>> -> memref<1x!tpu.dma_semaphore, #tpu.memory_space<semaphore_mem>>
    %dma_start3A_33 = tpu.memref_squeeze %dma_start3A_32 : memref<1x!tpu.dma_semaphore, #tpu.memory_space<semaphore_mem>> -> memref<!tpu.dma_semaphore, #tpu.memory_space<semaphore_mem>>
    tpu.enqueue_indirect_dma source(%dma_start3A_31 : memref<10000x32xi32, #tpu.memory_space<hbm>>) target(%dma_start3A_25 : memref<80x32xi32, #tpu.memory_space<vmem>>) offsets(%dma_start3A_28 : memref<80xi32, #tpu.memory_space<vmem>>) semaphore(%dma_start3A_33 : memref<!tpu.dma_semaphore, #tpu.memory_space<semaphore_mem>>)
    %dma_start3A_34 = arith.constant 0 : i32
    %dma_start3A_35 = arith.constant 0 : i32
    %dma_start3A_36 = arith.constant 0 : i32
    %dma_start3A_37 = arith.constant 0 : i32
    %dma_start3A_38 = arith.constant 0 : i32
    %dma_start3A_39 = tpu.memref_slice %arg12[%dma_start3A_35, %dma_start3A_37, %dma_start3A_38] : memref<5x80x32xi32, #tpu.memory_space<vmem>> -> memref<1x80x32xi32, #tpu.memory_space<vmem>>
    %dma_start3A_40 = tpu.memref_squeeze %dma_start3A_39 : memref<1x80x32xi32, #tpu.memory_space<vmem>> -> memref<80x32xi32, #tpu.memory_space<vmem>>
    %dma_start3A_41 = arith.constant 0 : i32
    %dma_start3A_42 = tpu.memref_slice %arg10[%dma_start3A_34, %dma_start3A_41] : memref<125x80xi32, #tpu.memory_space<vmem>> -> memref<1x80xi32, #tpu.memory_space<vmem>>
    %dma_start3A_43 = tpu.memref_squeeze %dma_start3A_42 : memref<1x80xi32, #tpu.memory_space<vmem>> -> memref<80xi32, #tpu.memory_space<vmem>>
    %dma_start3A_44 = arith.constant 0 : i32
    %dma_start3A_45 = arith.constant 0 : i32
    %dma_start3A_46 = tpu.memref_slice %arg3[%dma_start3A_44, %dma_start3A_45] : memref<10000x32xi32, #tpu.memory_space<hbm>> -> memref<10000x32xi32, #tpu.memory_space<hbm>>
    %dma_start3A_47 = tpu.memref_slice %arg16[%dma_start3A_36] : memref<5x!tpu.dma_semaphore, #tpu.memory_space<semaphore_mem>> -> memref<1x!tpu.dma_semaphore, #tpu.memory_space<semaphore_mem>>
    %dma_start3A_48 = tpu.memref_squeeze %dma_start3A_47 : memref<1x!tpu.dma_semaphore, #tpu.memory_space<semaphore_mem>> -> memref<!tpu.dma_semaphore, #tpu.memory_space<semaphore_mem>>
    tpu.enqueue_indirect_dma source(%dma_start3A_46 : memref<10000x32xi32, #tpu.memory_space<hbm>>) target(%dma_start3A_40 : memref<80x32xi32, #tpu.memory_space<vmem>>) offsets(%dma_start3A_43 : memref<80xi32, #tpu.memory_space<vmem>>) semaphore(%dma_start3A_48 : memref<!tpu.dma_semaphore, #tpu.memory_space<semaphore_mem>>)
    %dma_start3A_49 = arith.constant 1 : i32
    %dma_start3A_50 = arith.constant 1 : i32
    %dma_start3A_51 = arith.constant 1 : i32
    %dma_start3A_52 = arith.constant 0 : i32
    %dma_start3A_53 = arith.constant 0 : i32
    %dma_start3A_54 = tpu.memref_slice %arg11[%dma_start3A_50, %dma_start3A_52, %dma_start3A_53] : memref<5x80x32xi32, #tpu.memory_space<vmem>> -> memref<1x80x32xi32, #tpu.memory_space<vmem>>
    %dma_start3A_55 = tpu.memref_squeeze %dma_start3A_54 : memref<1x80x32xi32, #tpu.memory_space<vmem>> -> memref<80x32xi32, #tpu.memory_space<vmem>>
    %dma_start3A_56 = arith.constant 0 : i32
    %dma_start3A_57 = tpu.memref_slice %arg9[%dma_start3A_49, %dma_start3A_56] : memref<125x80xi32, #tpu.memory_space<vmem>> -> memref<1x80xi32, #tpu.memory_space<vmem>>
    %dma_start3A_58 = tpu.memref_squeeze %dma_start3A_57 : memref<1x80xi32, #tpu.memory_space<vmem>> -> memref<80xi32, #tpu.memory_space<vmem>>
    %dma_start3A_59 = arith.constant 0 : i32
    %dma_start3A_60 = arith.constant 0 : i32
    %dma_start3A_61 = tpu.memref_slice %arg2[%dma_start3A_59, %dma_start3A_60] : memref<10000x32xi32, #tpu.memory_space<hbm>> -> memref<10000x32xi32, #tpu.memory_space<hbm>>
    %dma_start3A_62 = tpu.memref_slice %arg16[%dma_start3A_51] : memref<5x!tpu.dma_semaphore, #tpu.memory_space<semaphore_mem>> -> memref<1x!tpu.dma_semaphore, #tpu.memory_space<semaphore_mem>>
    %dma_start3A_63 = tpu.memref_squeeze %dma_start3A_62 : memref<1x!tpu.dma_semaphore, #tpu.memory_space<semaphore_mem>> -> memref<!tpu.dma_semaphore, #tpu.memory_space<semaphore_mem>>
    tpu.enqueue_indirect_dma source(%dma_start3A_61 : memref<10000x32xi32, #tpu.memory_space<hbm>>) target(%dma_start3A_55 : memref<80x32xi32, #tpu.memory_space<vmem>>) offsets(%dma_start3A_58 : memref<80xi32, #tpu.memory_space<vmem>>) semaphore(%dma_start3A_63 : memref<!tpu.dma_semaphore, #tpu.memory_space<semaphore_mem>>)
    %dma_start3A_64 = arith.constant 1 : i32
    %dma_start3A_65 = arith.constant 1 : i32
    %dma_start3A_66 = arith.constant 1 : i32
    %dma_start3A_67 = arith.constant 0 : i32
    %dma_start3A_68 = arith.constant 0 : i32
    %dma_start3A_69 = tpu.memref_slice %arg12[%dma_start3A_65, %dma_start3A_67, %dma_start3A_68] : memref<5x80x32xi32, #tpu.memory_space<vmem>> -> memref<1x80x32xi32, #tpu.memory_space<vmem>>
    %dma_start3A_70 = tpu.memref_squeeze %dma_start3A_69 : memref<1x80x32xi32, #tpu.memory_space<vmem>> -> memref<80x32xi32, #tpu.memory_space<vmem>>
    %dma_start3A_71 = arith.constant 0 : i32
    %dma_start3A_72 = tpu.memref_slice %arg10[%dma_start3A_64, %dma_start3A_71] : memref<125x80xi32, #tpu.memory_space<vmem>> -> memref<1x80xi32, #tpu.memory_space<vmem>>
    %dma_start3A_73 = tpu.memref_squeeze %dma_start3A_72 : memref<1x80xi32, #tpu.memory_space<vmem>> -> memref<80xi32, #tpu.memory_space<vmem>>
    %dma_start3A_74 = arith.constant 0 : i32
    %dma_start3A_75 = arith.constant 0 : i32
    %dma_start3A_76 = tpu.memref_slice %arg3[%dma_start3A_74, %dma_start3A_75] : memref<10000x32xi32, #tpu.memory_space<hbm>> -> memref<10000x32xi32, #tpu.memory_space<hbm>>
    %dma_start3A_77 = tpu.memref_slice %arg16[%dma_start3A_66] : memref<5x!tpu.dma_semaphore, #tpu.memory_space<semaphore_mem>> -> memref<1x!tpu.dma_semaphore, #tpu.memory_space<semaphore_mem>>
    %dma_start3A_78 = tpu.memref_squeeze %dma_start3A_77 : memref<1x!tpu.dma_semaphore, #tpu.memory_space<semaphore_mem>> -> memref<!tpu.dma_semaphore, #tpu.memory_space<semaphore_mem>>
    tpu.enqueue_indirect_dma source(%dma_start3A_76 : memref<10000x32xi32, #tpu.memory_space<hbm>>) target(%dma_start3A_70 : memref<80x32xi32, #tpu.memory_space<vmem>>) offsets(%dma_start3A_73 : memref<80xi32, #tpu.memory_space<vmem>>) semaphore(%dma_start3A_78 : memref<!tpu.dma_semaphore, #tpu.memory_space<semaphore_mem>>)
    %dma_start3A_79 = arith.constant 2 : i32
    %dma_start3A_80 = arith.constant 2 : i32
    %dma_start3A_81 = arith.constant 2 : i32
    %dma_start3A_82 = arith.constant 0 : i32
    %dma_start3A_83 = arith.constant 0 : i32
    %dma_start3A_84 = tpu.memref_slice %arg11[%dma_start3A_80, %dma_start3A_82, %dma_start3A_83] : memref<5x80x32xi32, #tpu.memory_space<vmem>> -> memref<1x80x32xi32, #tpu.memory_space<vmem>>
    %dma_start3A_85 = tpu.memref_squeeze %dma_start3A_84 : memref<1x80x32xi32, #tpu.memory_space<vmem>> -> memref<80x32xi32, #tpu.memory_space<vmem>>
    %dma_start3A_86 = arith.constant 0 : i32
    %dma_start3A_87 = tpu.memref_slice %arg9[%dma_start3A_79, %dma_start3A_86] : memref<125x80xi32, #tpu.memory_space<vmem>> -> memref<1x80xi32, #tpu.memory_space<vmem>>
    %dma_start3A_88 = tpu.memref_squeeze %dma_start3A_87 : memref<1x80xi32, #tpu.memory_space<vmem>> -> memref<80xi32, #tpu.memory_space<vmem>>
    %dma_start3A_89 = arith.constant 0 : i32
    %dma_start3A_90 = arith.constant 0 : i32
    %dma_start3A_91 = tpu.memref_slice %arg2[%dma_start3A_89, %dma_start3A_90] : memref<10000x32xi32, #tpu.memory_space<hbm>> -> memref<10000x32xi32, #tpu.memory_space<hbm>>
    %dma_start3A_92 = tpu.memref_slice %arg16[%dma_start3A_81] : memref<5x!tpu.dma_semaphore, #tpu.memory_space<semaphore_mem>> -> memref<1x!tpu.dma_semaphore, #tpu.memory_space<semaphore_mem>>
    %dma_start3A_93 = tpu.memref_squeeze %dma_start3A_92 : memref<1x!tpu.dma_semaphore, #tpu.memory_space<semaphore_mem>> -> memref<!tpu.dma_semaphore, #tpu.memory_space<semaphore_mem>>
    tpu.enqueue_indirect_dma source(%dma_start3A_91 : memref<10000x32xi32, #tpu.memory_space<hbm>>) target(%dma_start3A_85 : memref<80x32xi32, #tpu.memory_space<vmem>>) offsets(%dma_start3A_88 : memref<80xi32, #tpu.memory_space<vmem>>) semaphore(%dma_start3A_93 : memref<!tpu.dma_semaphore, #tpu.memory_space<semaphore_mem>>)
    %dma_start3A_94 = arith.constant 2 : i32
    %dma_start3A_95 = arith.constant 2 : i32
    %dma_start3A_96 = arith.constant 2 : i32
    %dma_start3A_97 = arith.constant 0 : i32
    %dma_start3A_98 = arith.constant 0 : i32
    %dma_start3A_99 = tpu.memref_slice %arg12[%dma_start3A_95, %dma_start3A_97, %dma_start3A_98] : memref<5x80x32xi32, #tpu.memory_space<vmem>> -> memref<1x80x32xi32, #tpu.memory_space<vmem>>
    %dma_start3A_100 = tpu.memref_squeeze %dma_start3A_99 : memref<1x80x32xi32, #tpu.memory_space<vmem>> -> memref<80x32xi32, #tpu.memory_space<vmem>>
    %dma_start3A_101 = arith.constant 0 : i32
    %dma_start3A_102 = tpu.memref_slice %arg10[%dma_start3A_94, %dma_start3A_101] : memref<125x80xi32, #tpu.memory_space<vmem>> -> memref<1x80xi32, #tpu.memory_space<vmem>>
    %dma_start3A_103 = tpu.memref_squeeze %dma_start3A_102 : memref<1x80xi32, #tpu.memory_space<vmem>> -> memref<80xi32, #tpu.memory_space<vmem>>
    %dma_start3A_104 = arith.constant 0 : i32
    %dma_start3A_105 = arith.constant 0 : i32
    %dma_start3A_106 = tpu.memref_slice %arg3[%dma_start3A_104, %dma_start3A_105] : memref<10000x32xi32, #tpu.memory_space<hbm>> -> memref<10000x32xi32, #tpu.memory_space<hbm>>
    %dma_start3A_107 = tpu.memref_slice %arg16[%dma_start3A_96] : memref<5x!tpu.dma_semaphore, #tpu.memory_space<semaphore_mem>> -> memref<1x!tpu.dma_semaphore, #tpu.memory_space<semaphore_mem>>
    %dma_start3A_108 = tpu.memref_squeeze %dma_start3A_107 : memref<1x!tpu.dma_semaphore, #tpu.memory_space<semaphore_mem>> -> memref<!tpu.dma_semaphore, #tpu.memory_space<semaphore_mem>>
    tpu.enqueue_indirect_dma source(%dma_start3A_106 : memref<10000x32xi32, #tpu.memory_space<hbm>>) target(%dma_start3A_100 : memref<80x32xi32, #tpu.memory_space<vmem>>) offsets(%dma_start3A_103 : memref<80xi32, #tpu.memory_space<vmem>>) semaphore(%dma_start3A_108 : memref<!tpu.dma_semaphore, #tpu.memory_space<semaphore_mem>>)
    %dma_start3A_109 = arith.constant 3 : i32
    %dma_start3A_110 = arith.constant 3 : i32
    %dma_start3A_111 = arith.constant 3 : i32
    %dma_start3A_112 = arith.constant 0 : i32
    %dma_start3A_113 = arith.constant 0 : i32
    %dma_start3A_114 = tpu.memref_slice %arg11[%dma_start3A_110, %dma_start3A_112, %dma_start3A_113] : memref<5x80x32xi32, #tpu.memory_space<vmem>> -> memref<1x80x32xi32, #tpu.memory_space<vmem>>
    %dma_start3A_115 = tpu.memref_squeeze %dma_start3A_114 : memref<1x80x32xi32, #tpu.memory_space<vmem>> -> memref<80x32xi32, #tpu.memory_space<vmem>>
    %dma_start3A_116 = arith.constant 0 : i32
    %dma_start3A_117 = tpu.memref_slice %arg9[%dma_start3A_109, %dma_start3A_116] : memref<125x80xi32, #tpu.memory_space<vmem>> -> memref<1x80xi32, #tpu.memory_space<vmem>>
    %dma_start3A_118 = tpu.memref_squeeze %dma_start3A_117 : memref<1x80xi32, #tpu.memory_space<vmem>> -> memref<80xi32, #tpu.memory_space<vmem>>
    %dma_start3A_119 = arith.constant 0 : i32
    %dma_start3A_120 = arith.constant 0 : i32
    %dma_start3A_121 = tpu.memref_slice %arg2[%dma_start3A_119, %dma_start3A_120] : memref<10000x32xi32, #tpu.memory_space<hbm>> -> memref<10000x32xi32, #tpu.memory_space<hbm>>
    %dma_start3A_122 = tpu.memref_slice %arg16[%dma_start3A_111] : memref<5x!tpu.dma_semaphore, #tpu.memory_space<semaphore_mem>> -> memref<1x!tpu.dma_semaphore, #tpu.memory_space<semaphore_mem>>
    %dma_start3A_123 = tpu.memref_squeeze %dma_start3A_122 : memref<1x!tpu.dma_semaphore, #tpu.memory_space<semaphore_mem>> -> memref<!tpu.dma_semaphore, #tpu.memory_space<semaphore_mem>>
    tpu.enqueue_indirect_dma source(%dma_start3A_121 : memref<10000x32xi32, #tpu.memory_space<hbm>>) target(%dma_start3A_115 : memref<80x32xi32, #tpu.memory_space<vmem>>) offsets(%dma_start3A_118 : memref<80xi32, #tpu.memory_space<vmem>>) semaphore(%dma_start3A_123 : memref<!tpu.dma_semaphore, #tpu.memory_space<semaphore_mem>>)
    %dma_start3A_124 = arith.constant 3 : i32
    %dma_start3A_125 = arith.constant 3 : i32
    %dma_start3A_126 = arith.constant 3 : i32
    %dma_start3A_127 = arith.constant 0 : i32
    %dma_start3A_128 = arith.constant 0 : i32
    %dma_start3A_129 = tpu.memref_slice %arg12[%dma_start3A_125, %dma_start3A_127, %dma_start3A_128] : memref<5x80x32xi32, #tpu.memory_space<vmem>> -> memref<1x80x32xi32, #tpu.memory_space<vmem>>
    %dma_start3A_130 = tpu.memref_squeeze %dma_start3A_129 : memref<1x80x32xi32, #tpu.memory_space<vmem>> -> memref<80x32xi32, #tpu.memory_space<vmem>>
    %dma_start3A_131 = arith.constant 0 : i32
    %dma_start3A_132 = tpu.memref_slice %arg10[%dma_start3A_124, %dma_start3A_131] : memref<125x80xi32, #tpu.memory_space<vmem>> -> memref<1x80xi32, #tpu.memory_space<vmem>>
    %dma_start3A_133 = tpu.memref_squeeze %dma_start3A_132 : memref<1x80xi32, #tpu.memory_space<vmem>> -> memref<80xi32, #tpu.memory_space<vmem>>
    %dma_start3A_134 = arith.constant 0 : i32
    %dma_start3A_135 = arith.constant 0 : i32
    %dma_start3A_136 = tpu.memref_slice %arg3[%dma_start3A_134, %dma_start3A_135] : memref<10000x32xi32, #tpu.memory_space<hbm>> -> memref<10000x32xi32, #tpu.memory_space<hbm>>
    %dma_start3A_137 = tpu.memref_slice %arg16[%dma_start3A_126] : memref<5x!tpu.dma_semaphore, #tpu.memory_space<semaphore_mem>> -> memref<1x!tpu.dma_semaphore, #tpu.memory_space<semaphore_mem>>
    %dma_start3A_138 = tpu.memref_squeeze %dma_start3A_137 : memref<1x!tpu.dma_semaphore, #tpu.memory_space<semaphore_mem>> -> memref<!tpu.dma_semaphore, #tpu.memory_space<semaphore_mem>>
    tpu.enqueue_indirect_dma source(%dma_start3A_136 : memref<10000x32xi32, #tpu.memory_space<hbm>>) target(%dma_start3A_130 : memref<80x32xi32, #tpu.memory_space<vmem>>) offsets(%dma_start3A_133 : memref<80xi32, #tpu.memory_space<vmem>>) semaphore(%dma_start3A_138 : memref<!tpu.dma_semaphore, #tpu.memory_space<semaphore_mem>>)
    %scan3A_139 = arith.constant 0 : i32
    %scan3A_140 = arith.constant 0 : i32
    %scan3A_141 = arith.constant 25 : i32
    %scan3A_142 = arith.addi %scan3A_140, %scan3A_141 : i32
    %scan3A_143 = arith.constant 1 : i32
    scf.for %scan3A_219 = %scan3A_140 to %scan3A_142 step %scan3A_143  : i32 {
      %mul3A_220 = arith.constant 5 : i32
      %mul3A_221 = arith.muli %mul3A_220, %scan3A_219 : i32
      %add3A_222 = arith.constant 0 : i32
      %add3A_223 = arith.addi %mul3A_221, %add3A_222 : i32
      %add3A_224 = arith.constant 5 : i32
      %add3A_225 = arith.addi %add3A_223, %add3A_224 : i32
      %sub3A = arith.constant 1 : i32
      %sub3A_226 = arith.subi %add3A_225, %sub3A : i32
      %lt3A = arith.constant 125 : i32
      %lt3A_227 = arith.cmpi slt, %sub3A_226, %lt3A : i32
      %convert_element_type3A = arith.extui %lt3A_227 : i1 to i32
      %cond3A = arith.constant 0 : i32
      %cond3A_228 = arith.cmpi ne, %convert_element_type3A, %cond3A : i32
      scf.if %cond3A_228 {
        %dma_start3A_552 = arith.constant 4 : i32
        %dma_start3A_553 = arith.constant 4 : i32
        %dma_start3A_554 = arith.constant 0 : i32
        %dma_start3A_555 = arith.constant 0 : i32
        %dma_start3A_556 = tpu.memref_slice %arg11[%dma_start3A_552, %dma_start3A_554, %dma_start3A_555] : memref<5x80x32xi32, #tpu.memory_space<vmem>> -> memref<1x80x32xi32, #tpu.memory_space<vmem>>
        %dma_start3A_557 = tpu.memref_squeeze %dma_start3A_556 : memref<1x80x32xi32, #tpu.memory_space<vmem>> -> memref<80x32xi32, #tpu.memory_space<vmem>>
        %dma_start3A_558 = arith.constant 0 : i32
        %dma_start3A_559 = tpu.memref_slice %arg9[%sub3A_226, %dma_start3A_558] : memref<125x80xi32, #tpu.memory_space<vmem>> -> memref<1x80xi32, #tpu.memory_space<vmem>>
        %dma_start3A_560 = tpu.memref_squeeze %dma_start3A_559 : memref<1x80xi32, #tpu.memory_space<vmem>> -> memref<80xi32, #tpu.memory_space<vmem>>
        %dma_start3A_561 = arith.constant 0 : i32
        %dma_start3A_562 = arith.constant 0 : i32
        %dma_start3A_563 = tpu.memref_slice %arg2[%dma_start3A_561, %dma_start3A_562] : memref<10000x32xi32, #tpu.memory_space<hbm>> -> memref<10000x32xi32, #tpu.memory_space<hbm>>
        %dma_start3A_564 = tpu.memref_slice %arg16[%dma_start3A_553] : memref<5x!tpu.dma_semaphore, #tpu.memory_space<semaphore_mem>> -> memref<1x!tpu.dma_semaphore, #tpu.memory_space<semaphore_mem>>
        %dma_start3A_565 = tpu.memref_squeeze %dma_start3A_564 : memref<1x!tpu.dma_semaphore, #tpu.memory_space<semaphore_mem>> -> memref<!tpu.dma_semaphore, #tpu.memory_space<semaphore_mem>>
        tpu.enqueue_indirect_dma source(%dma_start3A_563 : memref<10000x32xi32, #tpu.memory_space<hbm>>) target(%dma_start3A_557 : memref<80x32xi32, #tpu.memory_space<vmem>>) offsets(%dma_start3A_560 : memref<80xi32, #tpu.memory_space<vmem>>) semaphore(%dma_start3A_565 : memref<!tpu.dma_semaphore, #tpu.memory_space<semaphore_mem>>)
        %dma_start3A_566 = arith.constant 4 : i32
        %dma_start3A_567 = arith.constant 4 : i32
        %dma_start3A_568 = arith.constant 0 : i32
        %dma_start3A_569 = arith.constant 0 : i32
        %dma_start3A_570 = tpu.memref_slice %arg12[%dma_start3A_566, %dma_start3A_568, %dma_start3A_569] : memref<5x80x32xi32, #tpu.memory_space<vmem>> -> memref<1x80x32xi32, #tpu.memory_space<vmem>>
        %dma_start3A_571 = tpu.memref_squeeze %dma_start3A_570 : memref<1x80x32xi32, #tpu.memory_space<vmem>> -> memref<80x32xi32, #tpu.memory_space<vmem>>
        %dma_start3A_572 = arith.constant 0 : i32
        %dma_start3A_573 = tpu.memref_slice %arg10[%sub3A_226, %dma_start3A_572] : memref<125x80xi32, #tpu.memory_space<vmem>> -> memref<1x80xi32, #tpu.memory_space<vmem>>
        %dma_start3A_574 = tpu.memref_squeeze %dma_start3A_573 : memref<1x80xi32, #tpu.memory_space<vmem>> -> memref<80xi32, #tpu.memory_space<vmem>>
        %dma_start3A_575 = arith.constant 0 : i32
        %dma_start3A_576 = arith.constant 0 : i32
        %dma_start3A_577 = tpu.memref_slice %arg3[%dma_start3A_575, %dma_start3A_576] : memref<10000x32xi32, #tpu.memory_space<hbm>> -> memref<10000x32xi32, #tpu.memory_space<hbm>>
        %dma_start3A_578 = tpu.memref_slice %arg16[%dma_start3A_567] : memref<5x!tpu.dma_semaphore, #tpu.memory_space<semaphore_mem>> -> memref<1x!tpu.dma_semaphore, #tpu.memory_space<semaphore_mem>>
        %dma_start3A_579 = tpu.memref_squeeze %dma_start3A_578 : memref<1x!tpu.dma_semaphore, #tpu.memory_space<semaphore_mem>> -> memref<!tpu.dma_semaphore, #tpu.memory_space<semaphore_mem>>
        tpu.enqueue_indirect_dma source(%dma_start3A_577 : memref<10000x32xi32, #tpu.memory_space<hbm>>) target(%dma_start3A_571 : memref<80x32xi32, #tpu.memory_space<vmem>>) offsets(%dma_start3A_574 : memref<80xi32, #tpu.memory_space<vmem>>) semaphore(%dma_start3A_579 : memref<!tpu.dma_semaphore, #tpu.memory_space<semaphore_mem>>)
      } else {
      }
      %dma_wait3A_229 = arith.constant 0 : i32
      %dma_wait3A_230 = arith.constant 0 : i32
      %dma_wait3A_231 = arith.constant 0 : i32
      %dma_wait3A_232 = arith.constant 0 : i32
      %dma_wait3A_233 = tpu.memref_slice %arg11[%dma_wait3A_229, %dma_wait3A_231, %dma_wait3A_232] : memref<5x80x32xi32, #tpu.memory_space<vmem>> -> memref<1x80x32xi32, #tpu.memory_space<vmem>>
      %dma_wait3A_234 = tpu.memref_squeeze %dma_wait3A_233 : memref<1x80x32xi32, #tpu.memory_space<vmem>> -> memref<80x32xi32, #tpu.memory_space<vmem>>
      %dma_wait3A_235 = arith.constant 0 : i32
      %dma_wait3A_236 = tpu.memref_slice %arg9[%add3A_223, %dma_wait3A_235] : memref<125x80xi32, #tpu.memory_space<vmem>> -> memref<1x80xi32, #tpu.memory_space<vmem>>
      %dma_wait3A_237 = tpu.memref_squeeze %dma_wait3A_236 : memref<1x80xi32, #tpu.memory_space<vmem>> -> memref<80xi32, #tpu.memory_space<vmem>>
      %dma_wait3A_238 = arith.constant 0 : i32
      %dma_wait3A_239 = arith.constant 0 : i32
      %dma_wait3A_240 = tpu.memref_slice %arg2[%dma_wait3A_238, %dma_wait3A_239] : memref<10000x32xi32, #tpu.memory_space<hbm>> -> memref<10000x32xi32, #tpu.memory_space<hbm>>
      %dma_wait3A_241 = tpu.memref_slice %arg16[%dma_wait3A_230] : memref<5x!tpu.dma_semaphore, #tpu.memory_space<semaphore_mem>> -> memref<1x!tpu.dma_semaphore, #tpu.memory_space<semaphore_mem>>
      %dma_wait3A_242 = tpu.memref_squeeze %dma_wait3A_241 : memref<1x!tpu.dma_semaphore, #tpu.memory_space<semaphore_mem>> -> memref<!tpu.dma_semaphore, #tpu.memory_space<semaphore_mem>>
      tpu.wait_indirect_dma semaphore(%dma_wait3A_242 : memref<!tpu.dma_semaphore, #tpu.memory_space<semaphore_mem>>) src(%dma_wait3A_240 : memref<10000x32xi32, #tpu.memory_space<hbm>>) dst(%dma_wait3A_234 : memref<80x32xi32, #tpu.memory_space<vmem>>)
      %dma_wait3A_243 = arith.constant 0 : i32
      %dma_wait3A_244 = arith.constant 0 : i32
      %dma_wait3A_245 = arith.constant 0 : i32
      %dma_wait3A_246 = arith.constant 0 : i32
      %dma_wait3A_247 = tpu.memref_slice %arg12[%dma_wait3A_243, %dma_wait3A_245, %dma_wait3A_246] : memref<5x80x32xi32, #tpu.memory_space<vmem>> -> memref<1x80x32xi32, #tpu.memory_space<vmem>>
      %dma_wait3A_248 = tpu.memref_squeeze %dma_wait3A_247 : memref<1x80x32xi32, #tpu.memory_space<vmem>> -> memref<80x32xi32, #tpu.memory_space<vmem>>
      %dma_wait3A_249 = arith.constant 0 : i32
      %dma_wait3A_250 = tpu.memref_slice %arg10[%add3A_223, %dma_wait3A_249] : memref<125x80xi32, #tpu.memory_space<vmem>> -> memref<1x80xi32, #tpu.memory_space<vmem>>
      %dma_wait3A_251 = tpu.memref_squeeze %dma_wait3A_250 : memref<1x80xi32, #tpu.memory_space<vmem>> -> memref<80xi32, #tpu.memory_space<vmem>>
      %dma_wait3A_252 = arith.constant 0 : i32
      %dma_wait3A_253 = arith.constant 0 : i32
      %dma_wait3A_254 = tpu.memref_slice %arg3[%dma_wait3A_252, %dma_wait3A_253] : memref<10000x32xi32, #tpu.memory_space<hbm>> -> memref<10000x32xi32, #tpu.memory_space<hbm>>
      %dma_wait3A_255 = tpu.memref_slice %arg16[%dma_wait3A_244] : memref<5x!tpu.dma_semaphore, #tpu.memory_space<semaphore_mem>> -> memref<1x!tpu.dma_semaphore, #tpu.memory_space<semaphore_mem>>
      %dma_wait3A_256 = tpu.memref_squeeze %dma_wait3A_255 : memref<1x!tpu.dma_semaphore, #tpu.memory_space<semaphore_mem>> -> memref<!tpu.dma_semaphore, #tpu.memory_space<semaphore_mem>>
      tpu.wait_indirect_dma semaphore(%dma_wait3A_256 : memref<!tpu.dma_semaphore, #tpu.memory_space<semaphore_mem>>) src(%dma_wait3A_254 : memref<10000x32xi32, #tpu.memory_space<hbm>>) dst(%dma_wait3A_248 : memref<80x32xi32, #tpu.memory_space<vmem>>)
      %ge3A = arith.constant 5 : i32
      %ge3A_257 = arith.cmpi sge, %add3A_223, %ge3A : i32
      %convert_element_type3A_258 = arith.extui %ge3A_257 : i1 to i32
      %cond3A_259 = arith.constant 0 : i32
      %cond3A_260 = arith.cmpi ne, %convert_element_type3A_258, %cond3A_259 : i32
      scf.if %cond3A_260 {
        %sub3A_552 = arith.constant 5 : i32
        %sub3A_553 = arith.subi %add3A_223, %sub3A_552 : i32
        %dma_wait3A_554 = arith.constant 0 : i32
        %dma_wait3A_555 = arith.constant 0 : i32
        %dma_wait3A_556 = arith.constant 0 : i32
        %dma_wait3A_557 = arith.constant 0 : i32
        %dma_wait3A_558 = arith.constant 0 : i32
        %dma_wait3A_559 = tpu.memref_slice %arg13[%dma_wait3A_554, %dma_wait3A_557, %dma_wait3A_558] : memref<5x80x80xf32, #tpu.memory_space<vmem>> -> memref<1x80x80xf32, #tpu.memory_space<vmem>>
        %dma_wait3A_560 = tpu.memref_squeeze %dma_wait3A_559 : memref<1x80x80xf32, #tpu.memory_space<vmem>> -> memref<80x80xf32, #tpu.memory_space<vmem>>
        %dma_wait3A_561 = arith.constant 0 : i32
        %dma_wait3A_562 = tpu.memref_slice %arg14[%dma_wait3A_555, %dma_wait3A_561] : memref<5x80xi32, #tpu.memory_space<vmem>> -> memref<1x80xi32, #tpu.memory_space<vmem>>
        %dma_wait3A_563 = tpu.memref_squeeze %dma_wait3A_562 : memref<1x80xi32, #tpu.memory_space<vmem>> -> memref<80xi32, #tpu.memory_space<vmem>>
        %dma_wait3A_564 = arith.constant 0 : i32
        %dma_wait3A_565 = arith.constant 0 : i32
        %dma_wait3A_566 = tpu.memref_slice %arg15[%dma_wait3A_564, %dma_wait3A_565] : memref<1024x80xf32, #tpu.memory_space<vmem_shared>> -> memref<1024x80xf32, #tpu.memory_space<vmem_shared>>
        %dma_wait3A_567 = tpu.memref_slice %arg17[%dma_wait3A_556] : memref<5x!tpu.dma_semaphore, #tpu.memory_space<semaphore_mem>> -> memref<1x!tpu.dma_semaphore, #tpu.memory_space<semaphore_mem>>
        %dma_wait3A_568 = tpu.memref_squeeze %dma_wait3A_567 : memref<1x!tpu.dma_semaphore, #tpu.memory_space<semaphore_mem>> -> memref<!tpu.dma_semaphore, #tpu.memory_space<semaphore_mem>>
        tpu.wait_indirect_dma semaphore(%dma_wait3A_568 : memref<!tpu.dma_semaphore, #tpu.memory_space<semaphore_mem>>) src(%dma_wait3A_560 : memref<80x80xf32, #tpu.memory_space<vmem>>) dst(%dma_wait3A_566 : memref<1024x80xf32, #tpu.memory_space<vmem_shared>>)
      } else {
      }
      %broadcast_in_dim3A_261 = arith.constant 0.000000e+00 : f32
      %broadcast_in_dim3A_262 = vector.broadcast %broadcast_in_dim3A_261 : f32 to vector<16xf32>
      %scan3A_263 = arith.constant 0 : i32
      %scan3A_264 = arith.constant 0 : i32
      %scan3A_265 = arith.constant 5 : i32
      %scan3A_266 = arith.addi %scan3A_264, %scan3A_265 : i32
      %scan3A_267 = arith.constant 1 : i32
      scf.for %scan3A_552 = %scan3A_264 to %scan3A_266 step %scan3A_267  : i32 {
        %mul3A_553 = arith.constant 16 : i32
        %mul3A_554 = arith.muli %mul3A_553, %scan3A_552 : i32
        %get3A = arith.index_cast %add3A_223 : i32 to index
        %get3A_555 = arith.index_cast %mul3A_554 : i32 to index
        %get3A_556 = tpu.vector_load %arg9[%get3A, %get3A_555] {strides = array<i32>} : memref<125x80xi32, #tpu.memory_space<vmem>>, vector<16xi32>,
        %gather3A = tpu.vector_load_idx %arg8[%get3A_556] : memref<10000xi32, #tpu.memory_space<vmem>>[vector<16xi32>], vector<16xi32>,
        %add3A_557 = vector.broadcast %mul3A_2 : i32 to vector<16xi32>
        %add3A_558 = arith.addi %gather3A, %add3A_557 : vector<16xi32>
        %mul3A_559 = arith.constant 16 : i32
        %mul3A_560 = arith.muli %mul3A_559, %scan3A_552 : i32
        %swap3A = arith.constant 0 : i32
        %swap3A_561 = arith.index_cast %swap3A : i32 to index
        %swap3A_562 = arith.index_cast %mul3A_560 : i32 to index
        %swap3A_563 = tpu.vector_load %arg14[%swap3A_561, %swap3A_562] {strides = array<i32>} : memref<5x80xi32, #tpu.memory_space<vmem>>, vector<16xi32>,
        tpu.vector_store %arg14[%swap3A_561, %swap3A_562], %add3A_558 {strides = array<i32>} : memref<5x80xi32, #tpu.memory_space<vmem>>, vector<16xi32>,
      }
      %scan3A_268 = arith.constant 5 : i32
      %dma_start3A_269 = arith.constant 0 : i32
      %dma_start3A_270 = arith.constant 0 : i32
      %dma_start3A_271 = arith.constant 0 : i32
      %dma_start3A_272 = arith.constant 0 : i32
      %dma_start3A_273 = arith.constant 0 : i32
      %dma_start3A_274 = tpu.memref_slice %arg13[%dma_start3A_269, %dma_start3A_272, %dma_start3A_273] : memref<5x80x80xf32, #tpu.memory_space<vmem>> -> memref<1x80x80xf32, #tpu.memory_space<vmem>>
      %dma_start3A_275 = tpu.memref_squeeze %dma_start3A_274 : memref<1x80x80xf32, #tpu.memory_space<vmem>> -> memref<80x80xf32, #tpu.memory_space<vmem>>
      %dma_start3A_276 = arith.constant 0 : i32
      %dma_start3A_277 = tpu.memref_slice %arg14[%dma_start3A_270, %dma_start3A_276] : memref<5x80xi32, #tpu.memory_space<vmem>> -> memref<1x80xi32, #tpu.memory_space<vmem>>
      %dma_start3A_278 = tpu.memref_squeeze %dma_start3A_277 : memref<1x80xi32, #tpu.memory_space<vmem>> -> memref<80xi32, #tpu.memory_space<vmem>>
      %dma_start3A_279 = arith.constant 0 : i32
      %dma_start3A_280 = arith.constant 0 : i32
      %dma_start3A_281 = tpu.memref_slice %arg15[%dma_start3A_279, %dma_start3A_280] : memref<1024x80xf32, #tpu.memory_space<vmem_shared>> -> memref<1024x80xf32, #tpu.memory_space<vmem_shared>>
      %dma_start3A_282 = tpu.memref_slice %arg17[%dma_start3A_271] : memref<5x!tpu.dma_semaphore, #tpu.memory_space<semaphore_mem>> -> memref<1x!tpu.dma_semaphore, #tpu.memory_space<semaphore_mem>>
      %dma_start3A_283 = tpu.memref_squeeze %dma_start3A_282 : memref<1x!tpu.dma_semaphore, #tpu.memory_space<semaphore_mem>> -> memref<!tpu.dma_semaphore, #tpu.memory_space<semaphore_mem>>
      tpu.enqueue_indirect_dma source(%dma_start3A_275 : memref<80x80xf32, #tpu.memory_space<vmem>>) target(%dma_start3A_281 : memref<1024x80xf32, #tpu.memory_space<vmem_shared>>) offsets(%dma_start3A_278 : memref<80xi32, #tpu.memory_space<vmem>>) semaphore(%dma_start3A_283 : memref<!tpu.dma_semaphore, #tpu.memory_space<semaphore_mem>>) {add = true}
      %add3A_284 = arith.constant 1 : i32
      %add3A_285 = arith.addi %mul3A_221, %add3A_284 : i32
      %add3A_286 = arith.constant 5 : i32
      %add3A_287 = arith.addi %add3A_285, %add3A_286 : i32
      %sub3A_288 = arith.constant 1 : i32
      %sub3A_289 = arith.subi %add3A_287, %sub3A_288 : i32
      %lt3A_290 = arith.constant 125 : i32
      %lt3A_291 = arith.cmpi slt, %sub3A_289, %lt3A_290 : i32
      %convert_element_type3A_292 = arith.extui %lt3A_291 : i1 to i32
      %cond3A_293 = arith.constant 0 : i32
      %cond3A_294 = arith.cmpi ne, %convert_element_type3A_292, %cond3A_293 : i32
      scf.if %cond3A_294 {
        %dma_start3A_552 = arith.constant 0 : i32
        %dma_start3A_553 = arith.constant 0 : i32
        %dma_start3A_554 = arith.constant 0 : i32
        %dma_start3A_555 = arith.constant 0 : i32
        %dma_start3A_556 = tpu.memref_slice %arg11[%dma_start3A_552, %dma_start3A_554, %dma_start3A_555] : memref<5x80x32xi32, #tpu.memory_space<vmem>> -> memref<1x80x32xi32, #tpu.memory_space<vmem>>
        %dma_start3A_557 = tpu.memref_squeeze %dma_start3A_556 : memref<1x80x32xi32, #tpu.memory_space<vmem>> -> memref<80x32xi32, #tpu.memory_space<vmem>>
        %dma_start3A_558 = arith.constant 0 : i32
        %dma_start3A_559 = tpu.memref_slice %arg9[%sub3A_289, %dma_start3A_558] : memref<125x80xi32, #tpu.memory_space<vmem>> -> memref<1x80xi32, #tpu.memory_space<vmem>>
        %dma_start3A_560 = tpu.memref_squeeze %dma_start3A_559 : memref<1x80xi32, #tpu.memory_space<vmem>> -> memref<80xi32, #tpu.memory_space<vmem>>
        %dma_start3A_561 = arith.constant 0 : i32
        %dma_start3A_562 = arith.constant 0 : i32
        %dma_start3A_563 = tpu.memref_slice %arg2[%dma_start3A_561, %dma_start3A_562] : memref<10000x32xi32, #tpu.memory_space<hbm>> -> memref<10000x32xi32, #tpu.memory_space<hbm>>
        %dma_start3A_564 = tpu.memref_slice %arg16[%dma_start3A_553] : memref<5x!tpu.dma_semaphore, #tpu.memory_space<semaphore_mem>> -> memref<1x!tpu.dma_semaphore, #tpu.memory_space<semaphore_mem>>
        %dma_start3A_565 = tpu.memref_squeeze %dma_start3A_564 : memref<1x!tpu.dma_semaphore, #tpu.memory_space<semaphore_mem>> -> memref<!tpu.dma_semaphore, #tpu.memory_space<semaphore_mem>>
        tpu.enqueue_indirect_dma source(%dma_start3A_563 : memref<10000x32xi32, #tpu.memory_space<hbm>>) target(%dma_start3A_557 : memref<80x32xi32, #tpu.memory_space<vmem>>) offsets(%dma_start3A_560 : memref<80xi32, #tpu.memory_space<vmem>>) semaphore(%dma_start3A_565 : memref<!tpu.dma_semaphore, #tpu.memory_space<semaphore_mem>>)
        %dma_start3A_566 = arith.constant 0 : i32
        %dma_start3A_567 = arith.constant 0 : i32
        %dma_start3A_568 = arith.constant 0 : i32
        %dma_start3A_569 = arith.constant 0 : i32
        %dma_start3A_570 = tpu.memref_slice %arg12[%dma_start3A_566, %dma_start3A_568, %dma_start3A_569] : memref<5x80x32xi32, #tpu.memory_space<vmem>> -> memref<1x80x32xi32, #tpu.memory_space<vmem>>
        %dma_start3A_571 = tpu.memref_squeeze %dma_start3A_570 : memref<1x80x32xi32, #tpu.memory_space<vmem>> -> memref<80x32xi32, #tpu.memory_space<vmem>>
        %dma_start3A_572 = arith.constant 0 : i32
        %dma_start3A_573 = tpu.memref_slice %arg10[%sub3A_289, %dma_start3A_572] : memref<125x80xi32, #tpu.memory_space<vmem>> -> memref<1x80xi32, #tpu.memory_space<vmem>>
        %dma_start3A_574 = tpu.memref_squeeze %dma_start3A_573 : memref<1x80xi32, #tpu.memory_space<vmem>> -> memref<80xi32, #tpu.memory_space<vmem>>
        %dma_start3A_575 = arith.constant 0 : i32
        %dma_start3A_576 = arith.constant 0 : i32
        %dma_start3A_577 = tpu.memref_slice %arg3[%dma_start3A_575, %dma_start3A_576] : memref<10000x32xi32, #tpu.memory_space<hbm>> -> memref<10000x32xi32, #tpu.memory_space<hbm>>
        %dma_start3A_578 = tpu.memref_slice %arg16[%dma_start3A_567] : memref<5x!tpu.dma_semaphore, #tpu.memory_space<semaphore_mem>> -> memref<1x!tpu.dma_semaphore, #tpu.memory_space<semaphore_mem>>
        %dma_start3A_579 = tpu.memref_squeeze %dma_start3A_578 : memref<1x!tpu.dma_semaphore, #tpu.memory_space<semaphore_mem>> -> memref<!tpu.dma_semaphore, #tpu.memory_space<semaphore_mem>>
        tpu.enqueue_indirect_dma source(%dma_start3A_577 : memref<10000x32xi32, #tpu.memory_space<hbm>>) target(%dma_start3A_571 : memref<80x32xi32, #tpu.memory_space<vmem>>) offsets(%dma_start3A_574 : memref<80xi32, #tpu.memory_space<vmem>>) semaphore(%dma_start3A_579 : memref<!tpu.dma_semaphore, #tpu.memory_space<semaphore_mem>>)
      } else {
      }
      %dma_wait3A_295 = arith.constant 1 : i32
      %dma_wait3A_296 = arith.constant 1 : i32
      %dma_wait3A_297 = arith.constant 0 : i32
      %dma_wait3A_298 = arith.constant 0 : i32
      %dma_wait3A_299 = tpu.memref_slice %arg11[%dma_wait3A_295, %dma_wait3A_297, %dma_wait3A_298] : memref<5x80x32xi32, #tpu.memory_space<vmem>> -> memref<1x80x32xi32, #tpu.memory_space<vmem>>
      %dma_wait3A_300 = tpu.memref_squeeze %dma_wait3A_299 : memref<1x80x32xi32, #tpu.memory_space<vmem>> -> memref<80x32xi32, #tpu.memory_space<vmem>>
      %dma_wait3A_301 = arith.constant 0 : i32
      %dma_wait3A_302 = tpu.memref_slice %arg9[%add3A_285, %dma_wait3A_301] : memref<125x80xi32, #tpu.memory_space<vmem>> -> memref<1x80xi32, #tpu.memory_space<vmem>>
      %dma_wait3A_303 = tpu.memref_squeeze %dma_wait3A_302 : memref<1x80xi32, #tpu.memory_space<vmem>> -> memref<80xi32, #tpu.memory_space<vmem>>
      %dma_wait3A_304 = arith.constant 0 : i32
      %dma_wait3A_305 = arith.constant 0 : i32
      %dma_wait3A_306 = tpu.memref_slice %arg2[%dma_wait3A_304, %dma_wait3A_305] : memref<10000x32xi32, #tpu.memory_space<hbm>> -> memref<10000x32xi32, #tpu.memory_space<hbm>>
      %dma_wait3A_307 = tpu.memref_slice %arg16[%dma_wait3A_296] : memref<5x!tpu.dma_semaphore, #tpu.memory_space<semaphore_mem>> -> memref<1x!tpu.dma_semaphore, #tpu.memory_space<semaphore_mem>>
      %dma_wait3A_308 = tpu.memref_squeeze %dma_wait3A_307 : memref<1x!tpu.dma_semaphore, #tpu.memory_space<semaphore_mem>> -> memref<!tpu.dma_semaphore, #tpu.memory_space<semaphore_mem>>
      tpu.wait_indirect_dma semaphore(%dma_wait3A_308 : memref<!tpu.dma_semaphore, #tpu.memory_space<semaphore_mem>>) src(%dma_wait3A_306 : memref<10000x32xi32, #tpu.memory_space<hbm>>) dst(%dma_wait3A_300 : memref<80x32xi32, #tpu.memory_space<vmem>>)
      %dma_wait3A_309 = arith.constant 1 : i32
      %dma_wait3A_310 = arith.constant 1 : i32
      %dma_wait3A_311 = arith.constant 0 : i32
      %dma_wait3A_312 = arith.constant 0 : i32
      %dma_wait3A_313 = tpu.memref_slice %arg12[%dma_wait3A_309, %dma_wait3A_311, %dma_wait3A_312] : memref<5x80x32xi32, #tpu.memory_space<vmem>> -> memref<1x80x32xi32, #tpu.memory_space<vmem>>
      %dma_wait3A_314 = tpu.memref_squeeze %dma_wait3A_313 : memref<1x80x32xi32, #tpu.memory_space<vmem>> -> memref<80x32xi32, #tpu.memory_space<vmem>>
      %dma_wait3A_315 = arith.constant 0 : i32
      %dma_wait3A_316 = tpu.memref_slice %arg10[%add3A_285, %dma_wait3A_315] : memref<125x80xi32, #tpu.memory_space<vmem>> -> memref<1x80xi32, #tpu.memory_space<vmem>>
      %dma_wait3A_317 = tpu.memref_squeeze %dma_wait3A_316 : memref<1x80xi32, #tpu.memory_space<vmem>> -> memref<80xi32, #tpu.memory_space<vmem>>
      %dma_wait3A_318 = arith.constant 0 : i32
      %dma_wait3A_319 = arith.constant 0 : i32
      %dma_wait3A_320 = tpu.memref_slice %arg3[%dma_wait3A_318, %dma_wait3A_319] : memref<10000x32xi32, #tpu.memory_space<hbm>> -> memref<10000x32xi32, #tpu.memory_space<hbm>>
      %dma_wait3A_321 = tpu.memref_slice %arg16[%dma_wait3A_310] : memref<5x!tpu.dma_semaphore, #tpu.memory_space<semaphore_mem>> -> memref<1x!tpu.dma_semaphore, #tpu.memory_space<semaphore_mem>>
      %dma_wait3A_322 = tpu.memref_squeeze %dma_wait3A_321 : memref<1x!tpu.dma_semaphore, #tpu.memory_space<semaphore_mem>> -> memref<!tpu.dma_semaphore, #tpu.memory_space<semaphore_mem>>
      tpu.wait_indirect_dma semaphore(%dma_wait3A_322 : memref<!tpu.dma_semaphore, #tpu.memory_space<semaphore_mem>>) src(%dma_wait3A_320 : memref<10000x32xi32, #tpu.memory_space<hbm>>) dst(%dma_wait3A_314 : memref<80x32xi32, #tpu.memory_space<vmem>>)
      %ge3A_323 = arith.constant 5 : i32
      %ge3A_324 = arith.cmpi sge, %add3A_285, %ge3A_323 : i32
      %convert_element_type3A_325 = arith.extui %ge3A_324 : i1 to i32
      %cond3A_326 = arith.constant 0 : i32
      %cond3A_327 = arith.cmpi ne, %convert_element_type3A_325, %cond3A_326 : i32
      scf.if %cond3A_327 {
        %sub3A_552 = arith.constant 5 : i32
        %sub3A_553 = arith.subi %add3A_285, %sub3A_552 : i32
        %dma_wait3A_554 = arith.constant 1 : i32
        %dma_wait3A_555 = arith.constant 1 : i32
        %dma_wait3A_556 = arith.constant 1 : i32
        %dma_wait3A_557 = arith.constant 0 : i32
        %dma_wait3A_558 = arith.constant 0 : i32
        %dma_wait3A_559 = tpu.memref_slice %arg13[%dma_wait3A_554, %dma_wait3A_557, %dma_wait3A_558] : memref<5x80x80xf32, #tpu.memory_space<vmem>> -> memref<1x80x80xf32, #tpu.memory_space<vmem>>
        %dma_wait3A_560 = tpu.memref_squeeze %dma_wait3A_559 : memref<1x80x80xf32, #tpu.memory_space<vmem>> -> memref<80x80xf32, #tpu.memory_space<vmem>>
        %dma_wait3A_561 = arith.constant 0 : i32
        %dma_wait3A_562 = tpu.memref_slice %arg14[%dma_wait3A_555, %dma_wait3A_561] : memref<5x80xi32, #tpu.memory_space<vmem>> -> memref<1x80xi32, #tpu.memory_space<vmem>>
        %dma_wait3A_563 = tpu.memref_squeeze %dma_wait3A_562 : memref<1x80xi32, #tpu.memory_space<vmem>> -> memref<80xi32, #tpu.memory_space<vmem>>
        %dma_wait3A_564 = arith.constant 0 : i32
        %dma_wait3A_565 = arith.constant 0 : i32
        %dma_wait3A_566 = tpu.memref_slice %arg15[%dma_wait3A_564, %dma_wait3A_565] : memref<1024x80xf32, #tpu.memory_space<vmem_shared>> -> memref<1024x80xf32, #tpu.memory_space<vmem_shared>>
        %dma_wait3A_567 = tpu.memref_slice %arg17[%dma_wait3A_556] : memref<5x!tpu.dma_semaphore, #tpu.memory_space<semaphore_mem>> -> memref<1x!tpu.dma_semaphore, #tpu.memory_space<semaphore_mem>>
        %dma_wait3A_568 = tpu.memref_squeeze %dma_wait3A_567 : memref<1x!tpu.dma_semaphore, #tpu.memory_space<semaphore_mem>> -> memref<!tpu.dma_semaphore, #tpu.memory_space<semaphore_mem>>
        tpu.wait_indirect_dma semaphore(%dma_wait3A_568 : memref<!tpu.dma_semaphore, #tpu.memory_space<semaphore_mem>>) src(%dma_wait3A_560 : memref<80x80xf32, #tpu.memory_space<vmem>>) dst(%dma_wait3A_566 : memref<1024x80xf32, #tpu.memory_space<vmem_shared>>)
      } else {
      }
      %broadcast_in_dim3A_328 = arith.constant 0.000000e+00 : f32
      %broadcast_in_dim3A_329 = vector.broadcast %broadcast_in_dim3A_328 : f32 to vector<16xf32>
      %scan3A_330 = arith.constant 0 : i32
      %scan3A_331 = arith.constant 0 : i32
      %scan3A_332 = arith.constant 5 : i32
      %scan3A_333 = arith.addi %scan3A_331, %scan3A_332 : i32
      %scan3A_334 = arith.constant 1 : i32
      scf.for %scan3A_552 = %scan3A_331 to %scan3A_333 step %scan3A_334  : i32 {
        %mul3A_553 = arith.constant 16 : i32
        %mul3A_554 = arith.muli %mul3A_553, %scan3A_552 : i32
        %get3A = arith.index_cast %add3A_285 : i32 to index
        %get3A_555 = arith.index_cast %mul3A_554 : i32 to index
        %get3A_556 = tpu.vector_load %arg9[%get3A, %get3A_555] {strides = array<i32>} : memref<125x80xi32, #tpu.memory_space<vmem>>, vector<16xi32>,
        %gather3A = tpu.vector_load_idx %arg8[%get3A_556] : memref<10000xi32, #tpu.memory_space<vmem>>[vector<16xi32>], vector<16xi32>,
        %add3A_557 = vector.broadcast %mul3A_2 : i32 to vector<16xi32>
        %add3A_558 = arith.addi %gather3A, %add3A_557 : vector<16xi32>
        %mul3A_559 = arith.constant 16 : i32
        %mul3A_560 = arith.muli %mul3A_559, %scan3A_552 : i32
        %swap3A = arith.constant 1 : i32
        %swap3A_561 = arith.index_cast %swap3A : i32 to index
        %swap3A_562 = arith.index_cast %mul3A_560 : i32 to index
        %swap3A_563 = tpu.vector_load %arg14[%swap3A_561, %swap3A_562] {strides = array<i32>} : memref<5x80xi32, #tpu.memory_space<vmem>>, vector<16xi32>,
        tpu.vector_store %arg14[%swap3A_561, %swap3A_562], %add3A_558 {strides = array<i32>} : memref<5x80xi32, #tpu.memory_space<vmem>>, vector<16xi32>,
      }
      %scan3A_335 = arith.constant 5 : i32
      %dma_start3A_336 = arith.constant 1 : i32
      %dma_start3A_337 = arith.constant 1 : i32
      %dma_start3A_338 = arith.constant 1 : i32
      %dma_start3A_339 = arith.constant 0 : i32
      %dma_start3A_340 = arith.constant 0 : i32
      %dma_start3A_341 = tpu.memref_slice %arg13[%dma_start3A_336, %dma_start3A_339, %dma_start3A_340] : memref<5x80x80xf32, #tpu.memory_space<vmem>> -> memref<1x80x80xf32, #tpu.memory_space<vmem>>
      %dma_start3A_342 = tpu.memref_squeeze %dma_start3A_341 : memref<1x80x80xf32, #tpu.memory_space<vmem>> -> memref<80x80xf32, #tpu.memory_space<vmem>>
      %dma_start3A_343 = arith.constant 0 : i32
      %dma_start3A_344 = tpu.memref_slice %arg14[%dma_start3A_337, %dma_start3A_343] : memref<5x80xi32, #tpu.memory_space<vmem>> -> memref<1x80xi32, #tpu.memory_space<vmem>>
      %dma_start3A_345 = tpu.memref_squeeze %dma_start3A_344 : memref<1x80xi32, #tpu.memory_space<vmem>> -> memref<80xi32, #tpu.memory_space<vmem>>
      %dma_start3A_346 = arith.constant 0 : i32
      %dma_start3A_347 = arith.constant 0 : i32
      %dma_start3A_348 = tpu.memref_slice %arg15[%dma_start3A_346, %dma_start3A_347] : memref<1024x80xf32, #tpu.memory_space<vmem_shared>> -> memref<1024x80xf32, #tpu.memory_space<vmem_shared>>
      %dma_start3A_349 = tpu.memref_slice %arg17[%dma_start3A_338] : memref<5x!tpu.dma_semaphore, #tpu.memory_space<semaphore_mem>> -> memref<1x!tpu.dma_semaphore, #tpu.memory_space<semaphore_mem>>
      %dma_start3A_350 = tpu.memref_squeeze %dma_start3A_349 : memref<1x!tpu.dma_semaphore, #tpu.memory_space<semaphore_mem>> -> memref<!tpu.dma_semaphore, #tpu.memory_space<semaphore_mem>>
      tpu.enqueue_indirect_dma source(%dma_start3A_342 : memref<80x80xf32, #tpu.memory_space<vmem>>) target(%dma_start3A_348 : memref<1024x80xf32, #tpu.memory_space<vmem_shared>>) offsets(%dma_start3A_345 : memref<80xi32, #tpu.memory_space<vmem>>) semaphore(%dma_start3A_350 : memref<!tpu.dma_semaphore, #tpu.memory_space<semaphore_mem>>) {add = true}
      %add3A_351 = arith.constant 2 : i32
      %add3A_352 = arith.addi %mul3A_221, %add3A_351 : i32
      %add3A_353 = arith.constant 5 : i32
      %add3A_354 = arith.addi %add3A_352, %add3A_353 : i32
      %sub3A_355 = arith.constant 1 : i32
      %sub3A_356 = arith.subi %add3A_354, %sub3A_355 : i32
      %lt3A_357 = arith.constant 125 : i32
      %lt3A_358 = arith.cmpi slt, %sub3A_356, %lt3A_357 : i32
      %convert_element_type3A_359 = arith.extui %lt3A_358 : i1 to i32
      %cond3A_360 = arith.constant 0 : i32
      %cond3A_361 = arith.cmpi ne, %convert_element_type3A_359, %cond3A_360 : i32
      scf.if %cond3A_361 {
        %dma_start3A_552 = arith.constant 1 : i32
        %dma_start3A_553 = arith.constant 1 : i32
        %dma_start3A_554 = arith.constant 0 : i32
        %dma_start3A_555 = arith.constant 0 : i32
        %dma_start3A_556 = tpu.memref_slice %arg11[%dma_start3A_552, %dma_start3A_554, %dma_start3A_555] : memref<5x80x32xi32, #tpu.memory_space<vmem>> -> memref<1x80x32xi32, #tpu.memory_space<vmem>>
        %dma_start3A_557 = tpu.memref_squeeze %dma_start3A_556 : memref<1x80x32xi32, #tpu.memory_space<vmem>> -> memref<80x32xi32, #tpu.memory_space<vmem>>
        %dma_start3A_558 = arith.constant 0 : i32
        %dma_start3A_559 = tpu.memref_slice %arg9[%sub3A_356, %dma_start3A_558] : memref<125x80xi32, #tpu.memory_space<vmem>> -> memref<1x80xi32, #tpu.memory_space<vmem>>
        %dma_start3A_560 = tpu.memref_squeeze %dma_start3A_559 : memref<1x80xi32, #tpu.memory_space<vmem>> -> memref<80xi32, #tpu.memory_space<vmem>>
        %dma_start3A_561 = arith.constant 0 : i32
        %dma_start3A_562 = arith.constant 0 : i32
        %dma_start3A_563 = tpu.memref_slice %arg2[%dma_start3A_561, %dma_start3A_562] : memref<10000x32xi32, #tpu.memory_space<hbm>> -> memref<10000x32xi32, #tpu.memory_space<hbm>>
        %dma_start3A_564 = tpu.memref_slice %arg16[%dma_start3A_553] : memref<5x!tpu.dma_semaphore, #tpu.memory_space<semaphore_mem>> -> memref<1x!tpu.dma_semaphore, #tpu.memory_space<semaphore_mem>>
        %dma_start3A_565 = tpu.memref_squeeze %dma_start3A_564 : memref<1x!tpu.dma_semaphore, #tpu.memory_space<semaphore_mem>> -> memref<!tpu.dma_semaphore, #tpu.memory_space<semaphore_mem>>
        tpu.enqueue_indirect_dma source(%dma_start3A_563 : memref<10000x32xi32, #tpu.memory_space<hbm>>) target(%dma_start3A_557 : memref<80x32xi32, #tpu.memory_space<vmem>>) offsets(%dma_start3A_560 : memref<80xi32, #tpu.memory_space<vmem>>) semaphore(%dma_start3A_565 : memref<!tpu.dma_semaphore, #tpu.memory_space<semaphore_mem>>)
        %dma_start3A_566 = arith.constant 1 : i32
        %dma_start3A_567 = arith.constant 1 : i32
        %dma_start3A_568 = arith.constant 0 : i32
        %dma_start3A_569 = arith.constant 0 : i32
        %dma_start3A_570 = tpu.memref_slice %arg12[%dma_start3A_566, %dma_start3A_568, %dma_start3A_569] : memref<5x80x32xi32, #tpu.memory_space<vmem>> -> memref<1x80x32xi32, #tpu.memory_space<vmem>>
        %dma_start3A_571 = tpu.memref_squeeze %dma_start3A_570 : memref<1x80x32xi32, #tpu.memory_space<vmem>> -> memref<80x32xi32, #tpu.memory_space<vmem>>
        %dma_start3A_572 = arith.constant 0 : i32
        %dma_start3A_573 = tpu.memref_slice %arg10[%sub3A_356, %dma_start3A_572] : memref<125x80xi32, #tpu.memory_space<vmem>> -> memref<1x80xi32, #tpu.memory_space<vmem>>
        %dma_start3A_574 = tpu.memref_squeeze %dma_start3A_573 : memref<1x80xi32, #tpu.memory_space<vmem>> -> memref<80xi32, #tpu.memory_space<vmem>>
        %dma_start3A_575 = arith.constant 0 : i32
        %dma_start3A_576 = arith.constant 0 : i32
        %dma_start3A_577 = tpu.memref_slice %arg3[%dma_start3A_575, %dma_start3A_576] : memref<10000x32xi32, #tpu.memory_space<hbm>> -> memref<10000x32xi32, #tpu.memory_space<hbm>>
        %dma_start3A_578 = tpu.memref_slice %arg16[%dma_start3A_567] : memref<5x!tpu.dma_semaphore, #tpu.memory_space<semaphore_mem>> -> memref<1x!tpu.dma_semaphore, #tpu.memory_space<semaphore_mem>>
        %dma_start3A_579 = tpu.memref_squeeze %dma_start3A_578 : memref<1x!tpu.dma_semaphore, #tpu.memory_space<semaphore_mem>> -> memref<!tpu.dma_semaphore, #tpu.memory_space<semaphore_mem>>
        tpu.enqueue_indirect_dma source(%dma_start3A_577 : memref<10000x32xi32, #tpu.memory_space<hbm>>) target(%dma_start3A_571 : memref<80x32xi32, #tpu.memory_space<vmem>>) offsets(%dma_start3A_574 : memref<80xi32, #tpu.memory_space<vmem>>) semaphore(%dma_start3A_579 : memref<!tpu.dma_semaphore, #tpu.memory_space<semaphore_mem>>)
      } else {
      }
      %dma_wait3A_362 = arith.constant 2 : i32
      %dma_wait3A_363 = arith.constant 2 : i32
      %dma_wait3A_364 = arith.constant 0 : i32
      %dma_wait3A_365 = arith.constant 0 : i32
      %dma_wait3A_366 = tpu.memref_slice %arg11[%dma_wait3A_362, %dma_wait3A_364, %dma_wait3A_365] : memref<5x80x32xi32, #tpu.memory_space<vmem>> -> memref<1x80x32xi32, #tpu.memory_space<vmem>>
      %dma_wait3A_367 = tpu.memref_squeeze %dma_wait3A_366 : memref<1x80x32xi32, #tpu.memory_space<vmem>> -> memref<80x32xi32, #tpu.memory_space<vmem>>
      %dma_wait3A_368 = arith.constant 0 : i32
      %dma_wait3A_369 = tpu.memref_slice %arg9[%add3A_352, %dma_wait3A_368] : memref<125x80xi32, #tpu.memory_space<vmem>> -> memref<1x80xi32, #tpu.memory_space<vmem>>
      %dma_wait3A_370 = tpu.memref_squeeze %dma_wait3A_369 : memref<1x80xi32, #tpu.memory_space<vmem>> -> memref<80xi32, #tpu.memory_space<vmem>>
      %dma_wait3A_371 = arith.constant 0 : i32
      %dma_wait3A_372 = arith.constant 0 : i32
      %dma_wait3A_373 = tpu.memref_slice %arg2[%dma_wait3A_371, %dma_wait3A_372] : memref<10000x32xi32, #tpu.memory_space<hbm>> -> memref<10000x32xi32, #tpu.memory_space<hbm>>
      %dma_wait3A_374 = tpu.memref_slice %arg16[%dma_wait3A_363] : memref<5x!tpu.dma_semaphore, #tpu.memory_space<semaphore_mem>> -> memref<1x!tpu.dma_semaphore, #tpu.memory_space<semaphore_mem>>
      %dma_wait3A_375 = tpu.memref_squeeze %dma_wait3A_374 : memref<1x!tpu.dma_semaphore, #tpu.memory_space<semaphore_mem>> -> memref<!tpu.dma_semaphore, #tpu.memory_space<semaphore_mem>>
      tpu.wait_indirect_dma semaphore(%dma_wait3A_375 : memref<!tpu.dma_semaphore, #tpu.memory_space<semaphore_mem>>) src(%dma_wait3A_373 : memref<10000x32xi32, #tpu.memory_space<hbm>>) dst(%dma_wait3A_367 : memref<80x32xi32, #tpu.memory_space<vmem>>)
      %dma_wait3A_376 = arith.constant 2 : i32
      %dma_wait3A_377 = arith.constant 2 : i32
      %dma_wait3A_378 = arith.constant 0 : i32
      %dma_wait3A_379 = arith.constant 0 : i32
      %dma_wait3A_380 = tpu.memref_slice %arg12[%dma_wait3A_376, %dma_wait3A_378, %dma_wait3A_379] : memref<5x80x32xi32, #tpu.memory_space<vmem>> -> memref<1x80x32xi32, #tpu.memory_space<vmem>>
      %dma_wait3A_381 = tpu.memref_squeeze %dma_wait3A_380 : memref<1x80x32xi32, #tpu.memory_space<vmem>> -> memref<80x32xi32, #tpu.memory_space<vmem>>
      %dma_wait3A_382 = arith.constant 0 : i32
      %dma_wait3A_383 = tpu.memref_slice %arg10[%add3A_352, %dma_wait3A_382] : memref<125x80xi32, #tpu.memory_space<vmem>> -> memref<1x80xi32, #tpu.memory_space<vmem>>
      %dma_wait3A_384 = tpu.memref_squeeze %dma_wait3A_383 : memref<1x80xi32, #tpu.memory_space<vmem>> -> memref<80xi32, #tpu.memory_space<vmem>>
      %dma_wait3A_385 = arith.constant 0 : i32
      %dma_wait3A_386 = arith.constant 0 : i32
      %dma_wait3A_387 = tpu.memref_slice %arg3[%dma_wait3A_385, %dma_wait3A_386] : memref<10000x32xi32, #tpu.memory_space<hbm>> -> memref<10000x32xi32, #tpu.memory_space<hbm>>
      %dma_wait3A_388 = tpu.memref_slice %arg16[%dma_wait3A_377] : memref<5x!tpu.dma_semaphore, #tpu.memory_space<semaphore_mem>> -> memref<1x!tpu.dma_semaphore, #tpu.memory_space<semaphore_mem>>
      %dma_wait3A_389 = tpu.memref_squeeze %dma_wait3A_388 : memref<1x!tpu.dma_semaphore, #tpu.memory_space<semaphore_mem>> -> memref<!tpu.dma_semaphore, #tpu.memory_space<semaphore_mem>>
      tpu.wait_indirect_dma semaphore(%dma_wait3A_389 : memref<!tpu.dma_semaphore, #tpu.memory_space<semaphore_mem>>) src(%dma_wait3A_387 : memref<10000x32xi32, #tpu.memory_space<hbm>>) dst(%dma_wait3A_381 : memref<80x32xi32, #tpu.memory_space<vmem>>)
      %ge3A_390 = arith.constant 5 : i32
      %ge3A_391 = arith.cmpi sge, %add3A_352, %ge3A_390 : i32
      %convert_element_type3A_392 = arith.extui %ge3A_391 : i1 to i32
      %cond3A_393 = arith.constant 0 : i32
      %cond3A_394 = arith.cmpi ne, %convert_element_type3A_392, %cond3A_393 : i32
      scf.if %cond3A_394 {
        %sub3A_552 = arith.constant 5 : i32
        %sub3A_553 = arith.subi %add3A_352, %sub3A_552 : i32
        %dma_wait3A_554 = arith.constant 2 : i32
        %dma_wait3A_555 = arith.constant 2 : i32
        %dma_wait3A_556 = arith.constant 2 : i32
        %dma_wait3A_557 = arith.constant 0 : i32
        %dma_wait3A_558 = arith.constant 0 : i32
        %dma_wait3A_559 = tpu.memref_slice %arg13[%dma_wait3A_554, %dma_wait3A_557, %dma_wait3A_558] : memref<5x80x80xf32, #tpu.memory_space<vmem>> -> memref<1x80x80xf32, #tpu.memory_space<vmem>>
        %dma_wait3A_560 = tpu.memref_squeeze %dma_wait3A_559 : memref<1x80x80xf32, #tpu.memory_space<vmem>> -> memref<80x80xf32, #tpu.memory_space<vmem>>
        %dma_wait3A_561 = arith.constant 0 : i32
        %dma_wait3A_562 = tpu.memref_slice %arg14[%dma_wait3A_555, %dma_wait3A_561] : memref<5x80xi32, #tpu.memory_space<vmem>> -> memref<1x80xi32, #tpu.memory_space<vmem>>
        %dma_wait3A_563 = tpu.memref_squeeze %dma_wait3A_562 : memref<1x80xi32, #tpu.memory_space<vmem>> -> memref<80xi32, #tpu.memory_space<vmem>>
        %dma_wait3A_564 = arith.constant 0 : i32
        %dma_wait3A_565 = arith.constant 0 : i32
        %dma_wait3A_566 = tpu.memref_slice %arg15[%dma_wait3A_564, %dma_wait3A_565] : memref<1024x80xf32, #tpu.memory_space<vmem_shared>> -> memref<1024x80xf32, #tpu.memory_space<vmem_shared>>
        %dma_wait3A_567 = tpu.memref_slice %arg17[%dma_wait3A_556] : memref<5x!tpu.dma_semaphore, #tpu.memory_space<semaphore_mem>> -> memref<1x!tpu.dma_semaphore, #tpu.memory_space<semaphore_mem>>
        %dma_wait3A_568 = tpu.memref_squeeze %dma_wait3A_567 : memref<1x!tpu.dma_semaphore, #tpu.memory_space<semaphore_mem>> -> memref<!tpu.dma_semaphore, #tpu.memory_space<semaphore_mem>>
        tpu.wait_indirect_dma semaphore(%dma_wait3A_568 : memref<!tpu.dma_semaphore, #tpu.memory_space<semaphore_mem>>) src(%dma_wait3A_560 : memref<80x80xf32, #tpu.memory_space<vmem>>) dst(%dma_wait3A_566 : memref<1024x80xf32, #tpu.memory_space<vmem_shared>>)
      } else {
      }
      %broadcast_in_dim3A_395 = arith.constant 0.000000e+00 : f32
      %broadcast_in_dim3A_396 = vector.broadcast %broadcast_in_dim3A_395 : f32 to vector<16xf32>
      %scan3A_397 = arith.constant 0 : i32
      %scan3A_398 = arith.constant 0 : i32
      %scan3A_399 = arith.constant 5 : i32
      %scan3A_400 = arith.addi %scan3A_398, %scan3A_399 : i32
      %scan3A_401 = arith.constant 1 : i32
      scf.for %scan3A_552 = %scan3A_398 to %scan3A_400 step %scan3A_401  : i32 {
        %mul3A_553 = arith.constant 16 : i32
        %mul3A_554 = arith.muli %mul3A_553, %scan3A_552 : i32
        %get3A = arith.index_cast %add3A_352 : i32 to index
        %get3A_555 = arith.index_cast %mul3A_554 : i32 to index
        %get3A_556 = tpu.vector_load %arg9[%get3A, %get3A_555] {strides = array<i32>} : memref<125x80xi32, #tpu.memory_space<vmem>>, vector<16xi32>,
        %gather3A = tpu.vector_load_idx %arg8[%get3A_556] : memref<10000xi32, #tpu.memory_space<vmem>>[vector<16xi32>], vector<16xi32>,
        %add3A_557 = vector.broadcast %mul3A_2 : i32 to vector<16xi32>
        %add3A_558 = arith.addi %gather3A, %add3A_557 : vector<16xi32>
        %mul3A_559 = arith.constant 16 : i32
        %mul3A_560 = arith.muli %mul3A_559, %scan3A_552 : i32
        %swap3A = arith.constant 2 : i32
        %swap3A_561 = arith.index_cast %swap3A : i32 to index
        %swap3A_562 = arith.index_cast %mul3A_560 : i32 to index
        %swap3A_563 = tpu.vector_load %arg14[%swap3A_561, %swap3A_562] {strides = array<i32>} : memref<5x80xi32, #tpu.memory_space<vmem>>, vector<16xi32>,
        tpu.vector_store %arg14[%swap3A_561, %swap3A_562], %add3A_558 {strides = array<i32>} : memref<5x80xi32, #tpu.memory_space<vmem>>, vector<16xi32>,
      }
      %scan3A_402 = arith.constant 5 : i32
      %dma_start3A_403 = arith.constant 2 : i32
      %dma_start3A_404 = arith.constant 2 : i32
      %dma_start3A_405 = arith.constant 2 : i32
      %dma_start3A_406 = arith.constant 0 : i32
      %dma_start3A_407 = arith.constant 0 : i32
      %dma_start3A_408 = tpu.memref_slice %arg13[%dma_start3A_403, %dma_start3A_406, %dma_start3A_407] : memref<5x80x80xf32, #tpu.memory_space<vmem>> -> memref<1x80x80xf32, #tpu.memory_space<vmem>>
      %dma_start3A_409 = tpu.memref_squeeze %dma_start3A_408 : memref<1x80x80xf32, #tpu.memory_space<vmem>> -> memref<80x80xf32, #tpu.memory_space<vmem>>
      %dma_start3A_410 = arith.constant 0 : i32
      %dma_start3A_411 = tpu.memref_slice %arg14[%dma_start3A_404, %dma_start3A_410] : memref<5x80xi32, #tpu.memory_space<vmem>> -> memref<1x80xi32, #tpu.memory_space<vmem>>
      %dma_start3A_412 = tpu.memref_squeeze %dma_start3A_411 : memref<1x80xi32, #tpu.memory_space<vmem>> -> memref<80xi32, #tpu.memory_space<vmem>>
      %dma_start3A_413 = arith.constant 0 : i32
      %dma_start3A_414 = arith.constant 0 : i32
      %dma_start3A_415 = tpu.memref_slice %arg15[%dma_start3A_413, %dma_start3A_414] : memref<1024x80xf32, #tpu.memory_space<vmem_shared>> -> memref<1024x80xf32, #tpu.memory_space<vmem_shared>>
      %dma_start3A_416 = tpu.memref_slice %arg17[%dma_start3A_405] : memref<5x!tpu.dma_semaphore, #tpu.memory_space<semaphore_mem>> -> memref<1x!tpu.dma_semaphore, #tpu.memory_space<semaphore_mem>>
      %dma_start3A_417 = tpu.memref_squeeze %dma_start3A_416 : memref<1x!tpu.dma_semaphore, #tpu.memory_space<semaphore_mem>> -> memref<!tpu.dma_semaphore, #tpu.memory_space<semaphore_mem>>
      tpu.enqueue_indirect_dma source(%dma_start3A_409 : memref<80x80xf32, #tpu.memory_space<vmem>>) target(%dma_start3A_415 : memref<1024x80xf32, #tpu.memory_space<vmem_shared>>) offsets(%dma_start3A_412 : memref<80xi32, #tpu.memory_space<vmem>>) semaphore(%dma_start3A_417 : memref<!tpu.dma_semaphore, #tpu.memory_space<semaphore_mem>>) {add = true}
      %add3A_418 = arith.constant 3 : i32
      %add3A_419 = arith.addi %mul3A_221, %add3A_418 : i32
      %add3A_420 = arith.constant 5 : i32
      %add3A_421 = arith.addi %add3A_419, %add3A_420 : i32
      %sub3A_422 = arith.constant 1 : i32
      %sub3A_423 = arith.subi %add3A_421, %sub3A_422 : i32
      %lt3A_424 = arith.constant 125 : i32
      %lt3A_425 = arith.cmpi slt, %sub3A_423, %lt3A_424 : i32
      %convert_element_type3A_426 = arith.extui %lt3A_425 : i1 to i32
      %cond3A_427 = arith.constant 0 : i32
      %cond3A_428 = arith.cmpi ne, %convert_element_type3A_426, %cond3A_427 : i32
      scf.if %cond3A_428 {
        %dma_start3A_552 = arith.constant 2 : i32
        %dma_start3A_553 = arith.constant 2 : i32
        %dma_start3A_554 = arith.constant 0 : i32
        %dma_start3A_555 = arith.constant 0 : i32
        %dma_start3A_556 = tpu.memref_slice %arg11[%dma_start3A_552, %dma_start3A_554, %dma_start3A_555] : memref<5x80x32xi32, #tpu.memory_space<vmem>> -> memref<1x80x32xi32, #tpu.memory_space<vmem>>
        %dma_start3A_557 = tpu.memref_squeeze %dma_start3A_556 : memref<1x80x32xi32, #tpu.memory_space<vmem>> -> memref<80x32xi32, #tpu.memory_space<vmem>>
        %dma_start3A_558 = arith.constant 0 : i32
        %dma_start3A_559 = tpu.memref_slice %arg9[%sub3A_423, %dma_start3A_558] : memref<125x80xi32, #tpu.memory_space<vmem>> -> memref<1x80xi32, #tpu.memory_space<vmem>>
        %dma_start3A_560 = tpu.memref_squeeze %dma_start3A_559 : memref<1x80xi32, #tpu.memory_space<vmem>> -> memref<80xi32, #tpu.memory_space<vmem>>
        %dma_start3A_561 = arith.constant 0 : i32
        %dma_start3A_562 = arith.constant 0 : i32
        %dma_start3A_563 = tpu.memref_slice %arg2[%dma_start3A_561, %dma_start3A_562] : memref<10000x32xi32, #tpu.memory_space<hbm>> -> memref<10000x32xi32, #tpu.memory_space<hbm>>
        %dma_start3A_564 = tpu.memref_slice %arg16[%dma_start3A_553] : memref<5x!tpu.dma_semaphore, #tpu.memory_space<semaphore_mem>> -> memref<1x!tpu.dma_semaphore, #tpu.memory_space<semaphore_mem>>
        %dma_start3A_565 = tpu.memref_squeeze %dma_start3A_564 : memref<1x!tpu.dma_semaphore, #tpu.memory_space<semaphore_mem>> -> memref<!tpu.dma_semaphore, #tpu.memory_space<semaphore_mem>>
        tpu.enqueue_indirect_dma source(%dma_start3A_563 : memref<10000x32xi32, #tpu.memory_space<hbm>>) target(%dma_start3A_557 : memref<80x32xi32, #tpu.memory_space<vmem>>) offsets(%dma_start3A_560 : memref<80xi32, #tpu.memory_space<vmem>>) semaphore(%dma_start3A_565 : memref<!tpu.dma_semaphore, #tpu.memory_space<semaphore_mem>>)
        %dma_start3A_566 = arith.constant 2 : i32
        %dma_start3A_567 = arith.constant 2 : i32
        %dma_start3A_568 = arith.constant 0 : i32
        %dma_start3A_569 = arith.constant 0 : i32
        %dma_start3A_570 = tpu.memref_slice %arg12[%dma_start3A_566, %dma_start3A_568, %dma_start3A_569] : memref<5x80x32xi32, #tpu.memory_space<vmem>> -> memref<1x80x32xi32, #tpu.memory_space<vmem>>
        %dma_start3A_571 = tpu.memref_squeeze %dma_start3A_570 : memref<1x80x32xi32, #tpu.memory_space<vmem>> -> memref<80x32xi32, #tpu.memory_space<vmem>>
        %dma_start3A_572 = arith.constant 0 : i32
        %dma_start3A_573 = tpu.memref_slice %arg10[%sub3A_423, %dma_start3A_572] : memref<125x80xi32, #tpu.memory_space<vmem>> -> memref<1x80xi32, #tpu.memory_space<vmem>>
        %dma_start3A_574 = tpu.memref_squeeze %dma_start3A_573 : memref<1x80xi32, #tpu.memory_space<vmem>> -> memref<80xi32, #tpu.memory_space<vmem>>
        %dma_start3A_575 = arith.constant 0 : i32
        %dma_start3A_576 = arith.constant 0 : i32
        %dma_start3A_577 = tpu.memref_slice %arg3[%dma_start3A_575, %dma_start3A_576] : memref<10000x32xi32, #tpu.memory_space<hbm>> -> memref<10000x32xi32, #tpu.memory_space<hbm>>
        %dma_start3A_578 = tpu.memref_slice %arg16[%dma_start3A_567] : memref<5x!tpu.dma_semaphore, #tpu.memory_space<semaphore_mem>> -> memref<1x!tpu.dma_semaphore, #tpu.memory_space<semaphore_mem>>
        %dma_start3A_579 = tpu.memref_squeeze %dma_start3A_578 : memref<1x!tpu.dma_semaphore, #tpu.memory_space<semaphore_mem>> -> memref<!tpu.dma_semaphore, #tpu.memory_space<semaphore_mem>>
        tpu.enqueue_indirect_dma source(%dma_start3A_577 : memref<10000x32xi32, #tpu.memory_space<hbm>>) target(%dma_start3A_571 : memref<80x32xi32, #tpu.memory_space<vmem>>) offsets(%dma_start3A_574 : memref<80xi32, #tpu.memory_space<vmem>>) semaphore(%dma_start3A_579 : memref<!tpu.dma_semaphore, #tpu.memory_space<semaphore_mem>>)
      } else {
      }
      %dma_wait3A_429 = arith.constant 3 : i32
      %dma_wait3A_430 = arith.constant 3 : i32
      %dma_wait3A_431 = arith.constant 0 : i32
      %dma_wait3A_432 = arith.constant 0 : i32
      %dma_wait3A_433 = tpu.memref_slice %arg11[%dma_wait3A_429, %dma_wait3A_431, %dma_wait3A_432] : memref<5x80x32xi32, #tpu.memory_space<vmem>> -> memref<1x80x32xi32, #tpu.memory_space<vmem>>
      %dma_wait3A_434 = tpu.memref_squeeze %dma_wait3A_433 : memref<1x80x32xi32, #tpu.memory_space<vmem>> -> memref<80x32xi32, #tpu.memory_space<vmem>>
      %dma_wait3A_435 = arith.constant 0 : i32
      %dma_wait3A_436 = tpu.memref_slice %arg9[%add3A_419, %dma_wait3A_435] : memref<125x80xi32, #tpu.memory_space<vmem>> -> memref<1x80xi32, #tpu.memory_space<vmem>>
      %dma_wait3A_437 = tpu.memref_squeeze %dma_wait3A_436 : memref<1x80xi32, #tpu.memory_space<vmem>> -> memref<80xi32, #tpu.memory_space<vmem>>
      %dma_wait3A_438 = arith.constant 0 : i32
      %dma_wait3A_439 = arith.constant 0 : i32
      %dma_wait3A_440 = tpu.memref_slice %arg2[%dma_wait3A_438, %dma_wait3A_439] : memref<10000x32xi32, #tpu.memory_space<hbm>> -> memref<10000x32xi32, #tpu.memory_space<hbm>>
      %dma_wait3A_441 = tpu.memref_slice %arg16[%dma_wait3A_430] : memref<5x!tpu.dma_semaphore, #tpu.memory_space<semaphore_mem>> -> memref<1x!tpu.dma_semaphore, #tpu.memory_space<semaphore_mem>>
      %dma_wait3A_442 = tpu.memref_squeeze %dma_wait3A_441 : memref<1x!tpu.dma_semaphore, #tpu.memory_space<semaphore_mem>> -> memref<!tpu.dma_semaphore, #tpu.memory_space<semaphore_mem>>
      tpu.wait_indirect_dma semaphore(%dma_wait3A_442 : memref<!tpu.dma_semaphore, #tpu.memory_space<semaphore_mem>>) src(%dma_wait3A_440 : memref<10000x32xi32, #tpu.memory_space<hbm>>) dst(%dma_wait3A_434 : memref<80x32xi32, #tpu.memory_space<vmem>>)
      %dma_wait3A_443 = arith.constant 3 : i32
      %dma_wait3A_444 = arith.constant 3 : i32
      %dma_wait3A_445 = arith.constant 0 : i32
      %dma_wait3A_446 = arith.constant 0 : i32
      %dma_wait3A_447 = tpu.memref_slice %arg12[%dma_wait3A_443, %dma_wait3A_445, %dma_wait3A_446] : memref<5x80x32xi32, #tpu.memory_space<vmem>> -> memref<1x80x32xi32, #tpu.memory_space<vmem>>
      %dma_wait3A_448 = tpu.memref_squeeze %dma_wait3A_447 : memref<1x80x32xi32, #tpu.memory_space<vmem>> -> memref<80x32xi32, #tpu.memory_space<vmem>>
      %dma_wait3A_449 = arith.constant 0 : i32
      %dma_wait3A_450 = tpu.memref_slice %arg10[%add3A_419, %dma_wait3A_449] : memref<125x80xi32, #tpu.memory_space<vmem>> -> memref<1x80xi32, #tpu.memory_space<vmem>>
      %dma_wait3A_451 = tpu.memref_squeeze %dma_wait3A_450 : memref<1x80xi32, #tpu.memory_space<vmem>> -> memref<80xi32, #tpu.memory_space<vmem>>
      %dma_wait3A_452 = arith.constant 0 : i32
      %dma_wait3A_453 = arith.constant 0 : i32
      %dma_wait3A_454 = tpu.memref_slice %arg3[%dma_wait3A_452, %dma_wait3A_453] : memref<10000x32xi32, #tpu.memory_space<hbm>> -> memref<10000x32xi32, #tpu.memory_space<hbm>>
      %dma_wait3A_455 = tpu.memref_slice %arg16[%dma_wait3A_444] : memref<5x!tpu.dma_semaphore, #tpu.memory_space<semaphore_mem>> -> memref<1x!tpu.dma_semaphore, #tpu.memory_space<semaphore_mem>>
      %dma_wait3A_456 = tpu.memref_squeeze %dma_wait3A_455 : memref<1x!tpu.dma_semaphore, #tpu.memory_space<semaphore_mem>> -> memref<!tpu.dma_semaphore, #tpu.memory_space<semaphore_mem>>
      tpu.wait_indirect_dma semaphore(%dma_wait3A_456 : memref<!tpu.dma_semaphore, #tpu.memory_space<semaphore_mem>>) src(%dma_wait3A_454 : memref<10000x32xi32, #tpu.memory_space<hbm>>) dst(%dma_wait3A_448 : memref<80x32xi32, #tpu.memory_space<vmem>>)
      %ge3A_457 = arith.constant 5 : i32
      %ge3A_458 = arith.cmpi sge, %add3A_419, %ge3A_457 : i32
      %convert_element_type3A_459 = arith.extui %ge3A_458 : i1 to i32
      %cond3A_460 = arith.constant 0 : i32
      %cond3A_461 = arith.cmpi ne, %convert_element_type3A_459, %cond3A_460 : i32
      scf.if %cond3A_461 {
        %sub3A_552 = arith.constant 5 : i32
        %sub3A_553 = arith.subi %add3A_419, %sub3A_552 : i32
        %dma_wait3A_554 = arith.constant 3 : i32
        %dma_wait3A_555 = arith.constant 3 : i32
        %dma_wait3A_556 = arith.constant 3 : i32
        %dma_wait3A_557 = arith.constant 0 : i32
        %dma_wait3A_558 = arith.constant 0 : i32
        %dma_wait3A_559 = tpu.memref_slice %arg13[%dma_wait3A_554, %dma_wait3A_557, %dma_wait3A_558] : memref<5x80x80xf32, #tpu.memory_space<vmem>> -> memref<1x80x80xf32, #tpu.memory_space<vmem>>
        %dma_wait3A_560 = tpu.memref_squeeze %dma_wait3A_559 : memref<1x80x80xf32, #tpu.memory_space<vmem>> -> memref<80x80xf32, #tpu.memory_space<vmem>>
        %dma_wait3A_561 = arith.constant 0 : i32
        %dma_wait3A_562 = tpu.memref_slice %arg14[%dma_wait3A_555, %dma_wait3A_561] : memref<5x80xi32, #tpu.memory_space<vmem>> -> memref<1x80xi32, #tpu.memory_space<vmem>>
        %dma_wait3A_563 = tpu.memref_squeeze %dma_wait3A_562 : memref<1x80xi32, #tpu.memory_space<vmem>> -> memref<80xi32, #tpu.memory_space<vmem>>
        %dma_wait3A_564 = arith.constant 0 : i32
        %dma_wait3A_565 = arith.constant 0 : i32
        %dma_wait3A_566 = tpu.memref_slice %arg15[%dma_wait3A_564, %dma_wait3A_565] : memref<1024x80xf32, #tpu.memory_space<vmem_shared>> -> memref<1024x80xf32, #tpu.memory_space<vmem_shared>>
        %dma_wait3A_567 = tpu.memref_slice %arg17[%dma_wait3A_556] : memref<5x!tpu.dma_semaphore, #tpu.memory_space<semaphore_mem>> -> memref<1x!tpu.dma_semaphore, #tpu.memory_space<semaphore_mem>>
        %dma_wait3A_568 = tpu.memref_squeeze %dma_wait3A_567 : memref<1x!tpu.dma_semaphore, #tpu.memory_space<semaphore_mem>> -> memref<!tpu.dma_semaphore, #tpu.memory_space<semaphore_mem>>
        tpu.wait_indirect_dma semaphore(%dma_wait3A_568 : memref<!tpu.dma_semaphore, #tpu.memory_space<semaphore_mem>>) src(%dma_wait3A_560 : memref<80x80xf32, #tpu.memory_space<vmem>>) dst(%dma_wait3A_566 : memref<1024x80xf32, #tpu.memory_space<vmem_shared>>)
      } else {
      }
      %broadcast_in_dim3A_462 = arith.constant 0.000000e+00 : f32
      %broadcast_in_dim3A_463 = vector.broadcast %broadcast_in_dim3A_462 : f32 to vector<16xf32>
      %scan3A_464 = arith.constant 0 : i32
      %scan3A_465 = arith.constant 0 : i32
      %scan3A_466 = arith.constant 5 : i32
      %scan3A_467 = arith.addi %scan3A_465, %scan3A_466 : i32
      %scan3A_468 = arith.constant 1 : i32
      scf.for %scan3A_552 = %scan3A_465 to %scan3A_467 step %scan3A_468  : i32 {
        %mul3A_553 = arith.constant 16 : i32
        %mul3A_554 = arith.muli %mul3A_553, %scan3A_552 : i32
        %get3A = arith.index_cast %add3A_419 : i32 to index
        %get3A_555 = arith.index_cast %mul3A_554 : i32 to index
        %get3A_556 = tpu.vector_load %arg9[%get3A, %get3A_555] {strides = array<i32>} : memref<125x80xi32, #tpu.memory_space<vmem>>, vector<16xi32>,
        %gather3A = tpu.vector_load_idx %arg8[%get3A_556] : memref<10000xi32, #tpu.memory_space<vmem>>[vector<16xi32>], vector<16xi32>,
        %add3A_557 = vector.broadcast %mul3A_2 : i32 to vector<16xi32>
        %add3A_558 = arith.addi %gather3A, %add3A_557 : vector<16xi32>
        %mul3A_559 = arith.constant 16 : i32
        %mul3A_560 = arith.muli %mul3A_559, %scan3A_552 : i32
        %swap3A = arith.constant 3 : i32
        %swap3A_561 = arith.index_cast %swap3A : i32 to index
        %swap3A_562 = arith.index_cast %mul3A_560 : i32 to index
        %swap3A_563 = tpu.vector_load %arg14[%swap3A_561, %swap3A_562] {strides = array<i32>} : memref<5x80xi32, #tpu.memory_space<vmem>>, vector<16xi32>,
        tpu.vector_store %arg14[%swap3A_561, %swap3A_562], %add3A_558 {strides = array<i32>} : memref<5x80xi32, #tpu.memory_space<vmem>>, vector<16xi32>,
      }
      %scan3A_469 = arith.constant 5 : i32
      %dma_start3A_470 = arith.constant 3 : i32
      %dma_start3A_471 = arith.constant 3 : i32
      %dma_start3A_472 = arith.constant 3 : i32
      %dma_start3A_473 = arith.constant 0 : i32
      %dma_start3A_474 = arith.constant 0 : i32
      %dma_start3A_475 = tpu.memref_slice %arg13[%dma_start3A_470, %dma_start3A_473, %dma_start3A_474] : memref<5x80x80xf32, #tpu.memory_space<vmem>> -> memref<1x80x80xf32, #tpu.memory_space<vmem>>
      %dma_start3A_476 = tpu.memref_squeeze %dma_start3A_475 : memref<1x80x80xf32, #tpu.memory_space<vmem>> -> memref<80x80xf32, #tpu.memory_space<vmem>>
      %dma_start3A_477 = arith.constant 0 : i32
      %dma_start3A_478 = tpu.memref_slice %arg14[%dma_start3A_471, %dma_start3A_477] : memref<5x80xi32, #tpu.memory_space<vmem>> -> memref<1x80xi32, #tpu.memory_space<vmem>>
      %dma_start3A_479 = tpu.memref_squeeze %dma_start3A_478 : memref<1x80xi32, #tpu.memory_space<vmem>> -> memref<80xi32, #tpu.memory_space<vmem>>
      %dma_start3A_480 = arith.constant 0 : i32
      %dma_start3A_481 = arith.constant 0 : i32
      %dma_start3A_482 = tpu.memref_slice %arg15[%dma_start3A_480, %dma_start3A_481] : memref<1024x80xf32, #tpu.memory_space<vmem_shared>> -> memref<1024x80xf32, #tpu.memory_space<vmem_shared>>
      %dma_start3A_483 = tpu.memref_slice %arg17[%dma_start3A_472] : memref<5x!tpu.dma_semaphore, #tpu.memory_space<semaphore_mem>> -> memref<1x!tpu.dma_semaphore, #tpu.memory_space<semaphore_mem>>
      %dma_start3A_484 = tpu.memref_squeeze %dma_start3A_483 : memref<1x!tpu.dma_semaphore, #tpu.memory_space<semaphore_mem>> -> memref<!tpu.dma_semaphore, #tpu.memory_space<semaphore_mem>>
      tpu.enqueue_indirect_dma source(%dma_start3A_476 : memref<80x80xf32, #tpu.memory_space<vmem>>) target(%dma_start3A_482 : memref<1024x80xf32, #tpu.memory_space<vmem_shared>>) offsets(%dma_start3A_479 : memref<80xi32, #tpu.memory_space<vmem>>) semaphore(%dma_start3A_484 : memref<!tpu.dma_semaphore, #tpu.memory_space<semaphore_mem>>) {add = true}
      %add3A_485 = arith.constant 4 : i32
      %add3A_486 = arith.addi %mul3A_221, %add3A_485 : i32
      %add3A_487 = arith.constant 5 : i32
      %add3A_488 = arith.addi %add3A_486, %add3A_487 : i32
      %sub3A_489 = arith.constant 1 : i32
      %sub3A_490 = arith.subi %add3A_488, %sub3A_489 : i32
      %lt3A_491 = arith.constant 125 : i32
      %lt3A_492 = arith.cmpi slt, %sub3A_490, %lt3A_491 : i32
      %convert_element_type3A_493 = arith.extui %lt3A_492 : i1 to i32
      %cond3A_494 = arith.constant 0 : i32
      %cond3A_495 = arith.cmpi ne, %convert_element_type3A_493, %cond3A_494 : i32
      scf.if %cond3A_495 {
        %dma_start3A_552 = arith.constant 3 : i32
        %dma_start3A_553 = arith.constant 3 : i32
        %dma_start3A_554 = arith.constant 0 : i32
        %dma_start3A_555 = arith.constant 0 : i32
        %dma_start3A_556 = tpu.memref_slice %arg11[%dma_start3A_552, %dma_start3A_554, %dma_start3A_555] : memref<5x80x32xi32, #tpu.memory_space<vmem>> -> memref<1x80x32xi32, #tpu.memory_space<vmem>>
        %dma_start3A_557 = tpu.memref_squeeze %dma_start3A_556 : memref<1x80x32xi32, #tpu.memory_space<vmem>> -> memref<80x32xi32, #tpu.memory_space<vmem>>
        %dma_start3A_558 = arith.constant 0 : i32
        %dma_start3A_559 = tpu.memref_slice %arg9[%sub3A_490, %dma_start3A_558] : memref<125x80xi32, #tpu.memory_space<vmem>> -> memref<1x80xi32, #tpu.memory_space<vmem>>
        %dma_start3A_560 = tpu.memref_squeeze %dma_start3A_559 : memref<1x80xi32, #tpu.memory_space<vmem>> -> memref<80xi32, #tpu.memory_space<vmem>>
        %dma_start3A_561 = arith.constant 0 : i32
        %dma_start3A_562 = arith.constant 0 : i32
        %dma_start3A_563 = tpu.memref_slice %arg2[%dma_start3A_561, %dma_start3A_562] : memref<10000x32xi32, #tpu.memory_space<hbm>> -> memref<10000x32xi32, #tpu.memory_space<hbm>>
        %dma_start3A_564 = tpu.memref_slice %arg16[%dma_start3A_553] : memref<5x!tpu.dma_semaphore, #tpu.memory_space<semaphore_mem>> -> memref<1x!tpu.dma_semaphore, #tpu.memory_space<semaphore_mem>>
        %dma_start3A_565 = tpu.memref_squeeze %dma_start3A_564 : memref<1x!tpu.dma_semaphore, #tpu.memory_space<semaphore_mem>> -> memref<!tpu.dma_semaphore, #tpu.memory_space<semaphore_mem>>
        tpu.enqueue_indirect_dma source(%dma_start3A_563 : memref<10000x32xi32, #tpu.memory_space<hbm>>) target(%dma_start3A_557 : memref<80x32xi32, #tpu.memory_space<vmem>>) offsets(%dma_start3A_560 : memref<80xi32, #tpu.memory_space<vmem>>) semaphore(%dma_start3A_565 : memref<!tpu.dma_semaphore, #tpu.memory_space<semaphore_mem>>)
        %dma_start3A_566 = arith.constant 3 : i32
        %dma_start3A_567 = arith.constant 3 : i32
        %dma_start3A_568 = arith.constant 0 : i32
        %dma_start3A_569 = arith.constant 0 : i32
        %dma_start3A_570 = tpu.memref_slice %arg12[%dma_start3A_566, %dma_start3A_568, %dma_start3A_569] : memref<5x80x32xi32, #tpu.memory_space<vmem>> -> memref<1x80x32xi32, #tpu.memory_space<vmem>>
        %dma_start3A_571 = tpu.memref_squeeze %dma_start3A_570 : memref<1x80x32xi32, #tpu.memory_space<vmem>> -> memref<80x32xi32, #tpu.memory_space<vmem>>
        %dma_start3A_572 = arith.constant 0 : i32
        %dma_start3A_573 = tpu.memref_slice %arg10[%sub3A_490, %dma_start3A_572] : memref<125x80xi32, #tpu.memory_space<vmem>> -> memref<1x80xi32, #tpu.memory_space<vmem>>
        %dma_start3A_574 = tpu.memref_squeeze %dma_start3A_573 : memref<1x80xi32, #tpu.memory_space<vmem>> -> memref<80xi32, #tpu.memory_space<vmem>>
        %dma_start3A_575 = arith.constant 0 : i32
        %dma_start3A_576 = arith.constant 0 : i32
        %dma_start3A_577 = tpu.memref_slice %arg3[%dma_start3A_575, %dma_start3A_576] : memref<10000x32xi32, #tpu.memory_space<hbm>> -> memref<10000x32xi32, #tpu.memory_space<hbm>>
        %dma_start3A_578 = tpu.memref_slice %arg16[%dma_start3A_567] : memref<5x!tpu.dma_semaphore, #tpu.memory_space<semaphore_mem>> -> memref<1x!tpu.dma_semaphore, #tpu.memory_space<semaphore_mem>>
        %dma_start3A_579 = tpu.memref_squeeze %dma_start3A_578 : memref<1x!tpu.dma_semaphore, #tpu.memory_space<semaphore_mem>> -> memref<!tpu.dma_semaphore, #tpu.memory_space<semaphore_mem>>
        tpu.enqueue_indirect_dma source(%dma_start3A_577 : memref<10000x32xi32, #tpu.memory_space<hbm>>) target(%dma_start3A_571 : memref<80x32xi32, #tpu.memory_space<vmem>>) offsets(%dma_start3A_574 : memref<80xi32, #tpu.memory_space<vmem>>) semaphore(%dma_start3A_579 : memref<!tpu.dma_semaphore, #tpu.memory_space<semaphore_mem>>)
      } else {
      }
      %dma_wait3A_496 = arith.constant 4 : i32
      %dma_wait3A_497 = arith.constant 4 : i32
      %dma_wait3A_498 = arith.constant 0 : i32
      %dma_wait3A_499 = arith.constant 0 : i32
      %dma_wait3A_500 = tpu.memref_slice %arg11[%dma_wait3A_496, %dma_wait3A_498, %dma_wait3A_499] : memref<5x80x32xi32, #tpu.memory_space<vmem>> -> memref<1x80x32xi32, #tpu.memory_space<vmem>>
      %dma_wait3A_501 = tpu.memref_squeeze %dma_wait3A_500 : memref<1x80x32xi32, #tpu.memory_space<vmem>> -> memref<80x32xi32, #tpu.memory_space<vmem>>
      %dma_wait3A_502 = arith.constant 0 : i32
      %dma_wait3A_503 = tpu.memref_slice %arg9[%add3A_486, %dma_wait3A_502] : memref<125x80xi32, #tpu.memory_space<vmem>> -> memref<1x80xi32, #tpu.memory_space<vmem>>
      %dma_wait3A_504 = tpu.memref_squeeze %dma_wait3A_503 : memref<1x80xi32, #tpu.memory_space<vmem>> -> memref<80xi32, #tpu.memory_space<vmem>>
      %dma_wait3A_505 = arith.constant 0 : i32
      %dma_wait3A_506 = arith.constant 0 : i32
      %dma_wait3A_507 = tpu.memref_slice %arg2[%dma_wait3A_505, %dma_wait3A_506] : memref<10000x32xi32, #tpu.memory_space<hbm>> -> memref<10000x32xi32, #tpu.memory_space<hbm>>
      %dma_wait3A_508 = tpu.memref_slice %arg16[%dma_wait3A_497] : memref<5x!tpu.dma_semaphore, #tpu.memory_space<semaphore_mem>> -> memref<1x!tpu.dma_semaphore, #tpu.memory_space<semaphore_mem>>
      %dma_wait3A_509 = tpu.memref_squeeze %dma_wait3A_508 : memref<1x!tpu.dma_semaphore, #tpu.memory_space<semaphore_mem>> -> memref<!tpu.dma_semaphore, #tpu.memory_space<semaphore_mem>>
      tpu.wait_indirect_dma semaphore(%dma_wait3A_509 : memref<!tpu.dma_semaphore, #tpu.memory_space<semaphore_mem>>) src(%dma_wait3A_507 : memref<10000x32xi32, #tpu.memory_space<hbm>>) dst(%dma_wait3A_501 : memref<80x32xi32, #tpu.memory_space<vmem>>)
      %dma_wait3A_510 = arith.constant 4 : i32
      %dma_wait3A_511 = arith.constant 4 : i32
      %dma_wait3A_512 = arith.constant 0 : i32
      %dma_wait3A_513 = arith.constant 0 : i32
      %dma_wait3A_514 = tpu.memref_slice %arg12[%dma_wait3A_510, %dma_wait3A_512, %dma_wait3A_513] : memref<5x80x32xi32, #tpu.memory_space<vmem>> -> memref<1x80x32xi32, #tpu.memory_space<vmem>>
      %dma_wait3A_515 = tpu.memref_squeeze %dma_wait3A_514 : memref<1x80x32xi32, #tpu.memory_space<vmem>> -> memref<80x32xi32, #tpu.memory_space<vmem>>
      %dma_wait3A_516 = arith.constant 0 : i32
      %dma_wait3A_517 = tpu.memref_slice %arg10[%add3A_486, %dma_wait3A_516] : memref<125x80xi32, #tpu.memory_space<vmem>> -> memref<1x80xi32, #tpu.memory_space<vmem>>
      %dma_wait3A_518 = tpu.memref_squeeze %dma_wait3A_517 : memref<1x80xi32, #tpu.memory_space<vmem>> -> memref<80xi32, #tpu.memory_space<vmem>>
      %dma_wait3A_519 = arith.constant 0 : i32
      %dma_wait3A_520 = arith.constant 0 : i32
      %dma_wait3A_521 = tpu.memref_slice %arg3[%dma_wait3A_519, %dma_wait3A_520] : memref<10000x32xi32, #tpu.memory_space<hbm>> -> memref<10000x32xi32, #tpu.memory_space<hbm>>
      %dma_wait3A_522 = tpu.memref_slice %arg16[%dma_wait3A_511] : memref<5x!tpu.dma_semaphore, #tpu.memory_space<semaphore_mem>> -> memref<1x!tpu.dma_semaphore, #tpu.memory_space<semaphore_mem>>
      %dma_wait3A_523 = tpu.memref_squeeze %dma_wait3A_522 : memref<1x!tpu.dma_semaphore, #tpu.memory_space<semaphore_mem>> -> memref<!tpu.dma_semaphore, #tpu.memory_space<semaphore_mem>>
      tpu.wait_indirect_dma semaphore(%dma_wait3A_523 : memref<!tpu.dma_semaphore, #tpu.memory_space<semaphore_mem>>) src(%dma_wait3A_521 : memref<10000x32xi32, #tpu.memory_space<hbm>>) dst(%dma_wait3A_515 : memref<80x32xi32, #tpu.memory_space<vmem>>)
      %ge3A_524 = arith.constant 5 : i32
      %ge3A_525 = arith.cmpi sge, %add3A_486, %ge3A_524 : i32
      %convert_element_type3A_526 = arith.extui %ge3A_525 : i1 to i32
      %cond3A_527 = arith.constant 0 : i32
      %cond3A_528 = arith.cmpi ne, %convert_element_type3A_526, %cond3A_527 : i32
      scf.if %cond3A_528 {
        %sub3A_552 = arith.constant 5 : i32
        %sub3A_553 = arith.subi %add3A_486, %sub3A_552 : i32
        %dma_wait3A_554 = arith.constant 4 : i32
        %dma_wait3A_555 = arith.constant 4 : i32
        %dma_wait3A_556 = arith.constant 4 : i32
        %dma_wait3A_557 = arith.constant 0 : i32
        %dma_wait3A_558 = arith.constant 0 : i32
        %dma_wait3A_559 = tpu.memref_slice %arg13[%dma_wait3A_554, %dma_wait3A_557, %dma_wait3A_558] : memref<5x80x80xf32, #tpu.memory_space<vmem>> -> memref<1x80x80xf32, #tpu.memory_space<vmem>>
        %dma_wait3A_560 = tpu.memref_squeeze %dma_wait3A_559 : memref<1x80x80xf32, #tpu.memory_space<vmem>> -> memref<80x80xf32, #tpu.memory_space<vmem>>
        %dma_wait3A_561 = arith.constant 0 : i32
        %dma_wait3A_562 = tpu.memref_slice %arg14[%dma_wait3A_555, %dma_wait3A_561] : memref<5x80xi32, #tpu.memory_space<vmem>> -> memref<1x80xi32, #tpu.memory_space<vmem>>
        %dma_wait3A_563 = tpu.memref_squeeze %dma_wait3A_562 : memref<1x80xi32, #tpu.memory_space<vmem>> -> memref<80xi32, #tpu.memory_space<vmem>>
        %dma_wait3A_564 = arith.constant 0 : i32
        %dma_wait3A_565 = arith.constant 0 : i32
        %dma_wait3A_566 = tpu.memref_slice %arg15[%dma_wait3A_564, %dma_wait3A_565] : memref<1024x80xf32, #tpu.memory_space<vmem_shared>> -> memref<1024x80xf32, #tpu.memory_space<vmem_shared>>
        %dma_wait3A_567 = tpu.memref_slice %arg17[%dma_wait3A_556] : memref<5x!tpu.dma_semaphore, #tpu.memory_space<semaphore_mem>> -> memref<1x!tpu.dma_semaphore, #tpu.memory_space<semaphore_mem>>
        %dma_wait3A_568 = tpu.memref_squeeze %dma_wait3A_567 : memref<1x!tpu.dma_semaphore, #tpu.memory_space<semaphore_mem>> -> memref<!tpu.dma_semaphore, #tpu.memory_space<semaphore_mem>>
        tpu.wait_indirect_dma semaphore(%dma_wait3A_568 : memref<!tpu.dma_semaphore, #tpu.memory_space<semaphore_mem>>) src(%dma_wait3A_560 : memref<80x80xf32, #tpu.memory_space<vmem>>) dst(%dma_wait3A_566 : memref<1024x80xf32, #tpu.memory_space<vmem_shared>>)
      } else {
      }
      %broadcast_in_dim3A_529 = arith.constant 0.000000e+00 : f32
      %broadcast_in_dim3A_530 = vector.broadcast %broadcast_in_dim3A_529 : f32 to vector<16xf32>
      %scan3A_531 = arith.constant 0 : i32
      %scan3A_532 = arith.constant 0 : i32
      %scan3A_533 = arith.constant 5 : i32
      %scan3A_534 = arith.addi %scan3A_532, %scan3A_533 : i32
      %scan3A_535 = arith.constant 1 : i32
      scf.for %scan3A_552 = %scan3A_532 to %scan3A_534 step %scan3A_535  : i32 {
        %mul3A_553 = arith.constant 16 : i32
        %mul3A_554 = arith.muli %mul3A_553, %scan3A_552 : i32
        %get3A = arith.index_cast %add3A_486 : i32 to index
        %get3A_555 = arith.index_cast %mul3A_554 : i32 to index
        %get3A_556 = tpu.vector_load %arg9[%get3A, %get3A_555] {strides = array<i32>} : memref<125x80xi32, #tpu.memory_space<vmem>>, vector<16xi32>,
        %gather3A = tpu.vector_load_idx %arg8[%get3A_556] : memref<10000xi32, #tpu.memory_space<vmem>>[vector<16xi32>], vector<16xi32>,
        %add3A_557 = vector.broadcast %mul3A_2 : i32 to vector<16xi32>
        %add3A_558 = arith.addi %gather3A, %add3A_557 : vector<16xi32>
        %mul3A_559 = arith.constant 16 : i32
        %mul3A_560 = arith.muli %mul3A_559, %scan3A_552 : i32
        %swap3A = arith.constant 4 : i32
        %swap3A_561 = arith.index_cast %swap3A : i32 to index
        %swap3A_562 = arith.index_cast %mul3A_560 : i32 to index
        %swap3A_563 = tpu.vector_load %arg14[%swap3A_561, %swap3A_562] {strides = array<i32>} : memref<5x80xi32, #tpu.memory_space<vmem>>, vector<16xi32>,
        tpu.vector_store %arg14[%swap3A_561, %swap3A_562], %add3A_558 {strides = array<i32>} : memref<5x80xi32, #tpu.memory_space<vmem>>, vector<16xi32>,
      }
      %scan3A_536 = arith.constant 5 : i32
      %dma_start3A_537 = arith.constant 4 : i32
      %dma_start3A_538 = arith.constant 4 : i32
      %dma_start3A_539 = arith.constant 4 : i32
      %dma_start3A_540 = arith.constant 0 : i32
      %dma_start3A_541 = arith.constant 0 : i32
      %dma_start3A_542 = tpu.memref_slice %arg13[%dma_start3A_537, %dma_start3A_540, %dma_start3A_541] : memref<5x80x80xf32, #tpu.memory_space<vmem>> -> memref<1x80x80xf32, #tpu.memory_space<vmem>>
      %dma_start3A_543 = tpu.memref_squeeze %dma_start3A_542 : memref<1x80x80xf32, #tpu.memory_space<vmem>> -> memref<80x80xf32, #tpu.memory_space<vmem>>
      %dma_start3A_544 = arith.constant 0 : i32
      %dma_start3A_545 = tpu.memref_slice %arg14[%dma_start3A_538, %dma_start3A_544] : memref<5x80xi32, #tpu.memory_space<vmem>> -> memref<1x80xi32, #tpu.memory_space<vmem>>
      %dma_start3A_546 = tpu.memref_squeeze %dma_start3A_545 : memref<1x80xi32, #tpu.memory_space<vmem>> -> memref<80xi32, #tpu.memory_space<vmem>>
      %dma_start3A_547 = arith.constant 0 : i32
      %dma_start3A_548 = arith.constant 0 : i32
      %dma_start3A_549 = tpu.memref_slice %arg15[%dma_start3A_547, %dma_start3A_548] : memref<1024x80xf32, #tpu.memory_space<vmem_shared>> -> memref<1024x80xf32, #tpu.memory_space<vmem_shared>>
      %dma_start3A_550 = tpu.memref_slice %arg17[%dma_start3A_539] : memref<5x!tpu.dma_semaphore, #tpu.memory_space<semaphore_mem>> -> memref<1x!tpu.dma_semaphore, #tpu.memory_space<semaphore_mem>>
      %dma_start3A_551 = tpu.memref_squeeze %dma_start3A_550 : memref<1x!tpu.dma_semaphore, #tpu.memory_space<semaphore_mem>> -> memref<!tpu.dma_semaphore, #tpu.memory_space<semaphore_mem>>
      tpu.enqueue_indirect_dma source(%dma_start3A_543 : memref<80x80xf32, #tpu.memory_space<vmem>>) target(%dma_start3A_549 : memref<1024x80xf32, #tpu.memory_space<vmem_shared>>) offsets(%dma_start3A_546 : memref<80xi32, #tpu.memory_space<vmem>>) semaphore(%dma_start3A_551 : memref<!tpu.dma_semaphore, #tpu.memory_space<semaphore_mem>>) {add = true}
    }
    %scan3A_144 = arith.constant 25 : i32
    %dma_wait3A = arith.constant 0 : i32
    %dma_wait3A_145 = arith.constant 0 : i32
    %dma_wait3A_146 = arith.constant 0 : i32
    %dma_wait3A_147 = arith.constant 0 : i32
    %dma_wait3A_148 = arith.constant 0 : i32
    %dma_wait3A_149 = tpu.memref_slice %arg13[%dma_wait3A, %dma_wait3A_147, %dma_wait3A_148] : memref<5x80x80xf32, #tpu.memory_space<vmem>> -> memref<1x80x80xf32, #tpu.memory_space<vmem>>
    %dma_wait3A_150 = tpu.memref_squeeze %dma_wait3A_149 : memref<1x80x80xf32, #tpu.memory_space<vmem>> -> memref<80x80xf32, #tpu.memory_space<vmem>>
    %dma_wait3A_151 = arith.constant 0 : i32
    %dma_wait3A_152 = tpu.memref_slice %arg14[%dma_wait3A_145, %dma_wait3A_151] : memref<5x80xi32, #tpu.memory_space<vmem>> -> memref<1x80xi32, #tpu.memory_space<vmem>>
    %dma_wait3A_153 = tpu.memref_squeeze %dma_wait3A_152 : memref<1x80xi32, #tpu.memory_space<vmem>> -> memref<80xi32, #tpu.memory_space<vmem>>
    %dma_wait3A_154 = arith.constant 0 : i32
    %dma_wait3A_155 = arith.constant 0 : i32
    %dma_wait3A_156 = tpu.memref_slice %arg15[%dma_wait3A_154, %dma_wait3A_155] : memref<1024x80xf32, #tpu.memory_space<vmem_shared>> -> memref<1024x80xf32, #tpu.memory_space<vmem_shared>>
    %dma_wait3A_157 = tpu.memref_slice %arg17[%dma_wait3A_146] : memref<5x!tpu.dma_semaphore, #tpu.memory_space<semaphore_mem>> -> memref<1x!tpu.dma_semaphore, #tpu.memory_space<semaphore_mem>>
    %dma_wait3A_158 = tpu.memref_squeeze %dma_wait3A_157 : memref<1x!tpu.dma_semaphore, #tpu.memory_space<semaphore_mem>> -> memref<!tpu.dma_semaphore, #tpu.memory_space<semaphore_mem>>
    tpu.wait_indirect_dma semaphore(%dma_wait3A_158 : memref<!tpu.dma_semaphore, #tpu.memory_space<semaphore_mem>>) src(%dma_wait3A_150 : memref<80x80xf32, #tpu.memory_space<vmem>>) dst(%dma_wait3A_156 : memref<1024x80xf32, #tpu.memory_space<vmem_shared>>)
    %dma_wait3A_159 = arith.constant 1 : i32
    %dma_wait3A_160 = arith.constant 1 : i32
    %dma_wait3A_161 = arith.constant 1 : i32
    %dma_wait3A_162 = arith.constant 0 : i32
    %dma_wait3A_163 = arith.constant 0 : i32
    %dma_wait3A_164 = tpu.memref_slice %arg13[%dma_wait3A_159, %dma_wait3A_162, %dma_wait3A_163] : memref<5x80x80xf32, #tpu.memory_space<vmem>> -> memref<1x80x80xf32, #tpu.memory_space<vmem>>
    %dma_wait3A_165 = tpu.memref_squeeze %dma_wait3A_164 : memref<1x80x80xf32, #tpu.memory_space<vmem>> -> memref<80x80xf32, #tpu.memory_space<vmem>>
    %dma_wait3A_166 = arith.constant 0 : i32
    %dma_wait3A_167 = tpu.memref_slice %arg14[%dma_wait3A_160, %dma_wait3A_166] : memref<5x80xi32, #tpu.memory_space<vmem>> -> memref<1x80xi32, #tpu.memory_space<vmem>>
    %dma_wait3A_168 = tpu.memref_squeeze %dma_wait3A_167 : memref<1x80xi32, #tpu.memory_space<vmem>> -> memref<80xi32, #tpu.memory_space<vmem>>
    %dma_wait3A_169 = arith.constant 0 : i32
    %dma_wait3A_170 = arith.constant 0 : i32
    %dma_wait3A_171 = tpu.memref_slice %arg15[%dma_wait3A_169, %dma_wait3A_170] : memref<1024x80xf32, #tpu.memory_space<vmem_shared>> -> memref<1024x80xf32, #tpu.memory_space<vmem_shared>>
    %dma_wait3A_172 = tpu.memref_slice %arg17[%dma_wait3A_161] : memref<5x!tpu.dma_semaphore, #tpu.memory_space<semaphore_mem>> -> memref<1x!tpu.dma_semaphore, #tpu.memory_space<semaphore_mem>>
    %dma_wait3A_173 = tpu.memref_squeeze %dma_wait3A_172 : memref<1x!tpu.dma_semaphore, #tpu.memory_space<semaphore_mem>> -> memref<!tpu.dma_semaphore, #tpu.memory_space<semaphore_mem>>
    tpu.wait_indirect_dma semaphore(%dma_wait3A_173 : memref<!tpu.dma_semaphore, #tpu.memory_space<semaphore_mem>>) src(%dma_wait3A_165 : memref<80x80xf32, #tpu.memory_space<vmem>>) dst(%dma_wait3A_171 : memref<1024x80xf32, #tpu.memory_space<vmem_shared>>)
    %dma_wait3A_174 = arith.constant 2 : i32
    %dma_wait3A_175 = arith.constant 2 : i32
    %dma_wait3A_176 = arith.constant 2 : i32
    %dma_wait3A_177 = arith.constant 0 : i32
    %dma_wait3A_178 = arith.constant 0 : i32
    %dma_wait3A_179 = tpu.memref_slice %arg13[%dma_wait3A_174, %dma_wait3A_177, %dma_wait3A_178] : memref<5x80x80xf32, #tpu.memory_space<vmem>> -> memref<1x80x80xf32, #tpu.memory_space<vmem>>
    %dma_wait3A_180 = tpu.memref_squeeze %dma_wait3A_179 : memref<1x80x80xf32, #tpu.memory_space<vmem>> -> memref<80x80xf32, #tpu.memory_space<vmem>>
    %dma_wait3A_181 = arith.constant 0 : i32
    %dma_wait3A_182 = tpu.memref_slice %arg14[%dma_wait3A_175, %dma_wait3A_181] : memref<5x80xi32, #tpu.memory_space<vmem>> -> memref<1x80xi32, #tpu.memory_space<vmem>>
    %dma_wait3A_183 = tpu.memref_squeeze %dma_wait3A_182 : memref<1x80xi32, #tpu.memory_space<vmem>> -> memref<80xi32, #tpu.memory_space<vmem>>
    %dma_wait3A_184 = arith.constant 0 : i32
    %dma_wait3A_185 = arith.constant 0 : i32
    %dma_wait3A_186 = tpu.memref_slice %arg15[%dma_wait3A_184, %dma_wait3A_185] : memref<1024x80xf32, #tpu.memory_space<vmem_shared>> -> memref<1024x80xf32, #tpu.memory_space<vmem_shared>>
    %dma_wait3A_187 = tpu.memref_slice %arg17[%dma_wait3A_176] : memref<5x!tpu.dma_semaphore, #tpu.memory_space<semaphore_mem>> -> memref<1x!tpu.dma_semaphore, #tpu.memory_space<semaphore_mem>>
    %dma_wait3A_188 = tpu.memref_squeeze %dma_wait3A_187 : memref<1x!tpu.dma_semaphore, #tpu.memory_space<semaphore_mem>> -> memref<!tpu.dma_semaphore, #tpu.memory_space<semaphore_mem>>
    tpu.wait_indirect_dma semaphore(%dma_wait3A_188 : memref<!tpu.dma_semaphore, #tpu.memory_space<semaphore_mem>>) src(%dma_wait3A_180 : memref<80x80xf32, #tpu.memory_space<vmem>>) dst(%dma_wait3A_186 : memref<1024x80xf32, #tpu.memory_space<vmem_shared>>)
    %dma_wait3A_189 = arith.constant 3 : i32
    %dma_wait3A_190 = arith.constant 3 : i32
    %dma_wait3A_191 = arith.constant 3 : i32
    %dma_wait3A_192 = arith.constant 0 : i32
    %dma_wait3A_193 = arith.constant 0 : i32
    %dma_wait3A_194 = tpu.memref_slice %arg13[%dma_wait3A_189, %dma_wait3A_192, %dma_wait3A_193] : memref<5x80x80xf32, #tpu.memory_space<vmem>> -> memref<1x80x80xf32, #tpu.memory_space<vmem>>
    %dma_wait3A_195 = tpu.memref_squeeze %dma_wait3A_194 : memref<1x80x80xf32, #tpu.memory_space<vmem>> -> memref<80x80xf32, #tpu.memory_space<vmem>>
    %dma_wait3A_196 = arith.constant 0 : i32
    %dma_wait3A_197 = tpu.memref_slice %arg14[%dma_wait3A_190, %dma_wait3A_196] : memref<5x80xi32, #tpu.memory_space<vmem>> -> memref<1x80xi32, #tpu.memory_space<vmem>>
    %dma_wait3A_198 = tpu.memref_squeeze %dma_wait3A_197 : memref<1x80xi32, #tpu.memory_space<vmem>> -> memref<80xi32, #tpu.memory_space<vmem>>
    %dma_wait3A_199 = arith.constant 0 : i32
    %dma_wait3A_200 = arith.constant 0 : i32
    %dma_wait3A_201 = tpu.memref_slice %arg15[%dma_wait3A_199, %dma_wait3A_200] : memref<1024x80xf32, #tpu.memory_space<vmem_shared>> -> memref<1024x80xf32, #tpu.memory_space<vmem_shared>>
    %dma_wait3A_202 = tpu.memref_slice %arg17[%dma_wait3A_191] : memref<5x!tpu.dma_semaphore, #tpu.memory_space<semaphore_mem>> -> memref<1x!tpu.dma_semaphore, #tpu.memory_space<semaphore_mem>>
    %dma_wait3A_203 = tpu.memref_squeeze %dma_wait3A_202 : memref<1x!tpu.dma_semaphore, #tpu.memory_space<semaphore_mem>> -> memref<!tpu.dma_semaphore, #tpu.memory_space<semaphore_mem>>
    tpu.wait_indirect_dma semaphore(%dma_wait3A_203 : memref<!tpu.dma_semaphore, #tpu.memory_space<semaphore_mem>>) src(%dma_wait3A_195 : memref<80x80xf32, #tpu.memory_space<vmem>>) dst(%dma_wait3A_201 : memref<1024x80xf32, #tpu.memory_space<vmem_shared>>)
    %dma_wait3A_204 = arith.constant 4 : i32
    %dma_wait3A_205 = arith.constant 4 : i32
    %dma_wait3A_206 = arith.constant 4 : i32
    %dma_wait3A_207 = arith.constant 0 : i32
    %dma_wait3A_208 = arith.constant 0 : i32
    %dma_wait3A_209 = tpu.memref_slice %arg13[%dma_wait3A_204, %dma_wait3A_207, %dma_wait3A_208] : memref<5x80x80xf32, #tpu.memory_space<vmem>> -> memref<1x80x80xf32, #tpu.memory_space<vmem>>
    %dma_wait3A_210 = tpu.memref_squeeze %dma_wait3A_209 : memref<1x80x80xf32, #tpu.memory_space<vmem>> -> memref<80x80xf32, #tpu.memory_space<vmem>>
    %dma_wait3A_211 = arith.constant 0 : i32
    %dma_wait3A_212 = tpu.memref_slice %arg14[%dma_wait3A_205, %dma_wait3A_211] : memref<5x80xi32, #tpu.memory_space<vmem>> -> memref<1x80xi32, #tpu.memory_space<vmem>>
    %dma_wait3A_213 = tpu.memref_squeeze %dma_wait3A_212 : memref<1x80xi32, #tpu.memory_space<vmem>> -> memref<80xi32, #tpu.memory_space<vmem>>
    %dma_wait3A_214 = arith.constant 0 : i32
    %dma_wait3A_215 = arith.constant 0 : i32
    %dma_wait3A_216 = tpu.memref_slice %arg15[%dma_wait3A_214, %dma_wait3A_215] : memref<1024x80xf32, #tpu.memory_space<vmem_shared>> -> memref<1024x80xf32, #tpu.memory_space<vmem_shared>>
    %dma_wait3A_217 = tpu.memref_slice %arg17[%dma_wait3A_206] : memref<5x!tpu.dma_semaphore, #tpu.memory_space<semaphore_mem>> -> memref<1x!tpu.dma_semaphore, #tpu.memory_space<semaphore_mem>>
    %dma_wait3A_218 = tpu.memref_squeeze %dma_wait3A_217 : memref<1x!tpu.dma_semaphore, #tpu.memory_space<semaphore_mem>> -> memref<!tpu.dma_semaphore, #tpu.memory_space<semaphore_mem>>
    tpu.wait_indirect_dma semaphore(%dma_wait3A_218 : memref<!tpu.dma_semaphore, #tpu.memory_space<semaphore_mem>>) src(%dma_wait3A_210 : memref<80x80xf32, #tpu.memory_space<vmem>>) dst(%dma_wait3A_216 : memref<1024x80xf32, #tpu.memory_space<vmem_shared>>)
    "tpu.region"() ({
      %run_scoped3A_219 = tpu.sem_alloc : memref<!tpu.dma_semaphore, #tpu.memory_space<semaphore_mem>>
      %dma_start3A_220 = arith.constant 0 : i32
      %dma_start3A_221 = arith.constant 0 : i32
      %dma_start3A_222 = tpu.memref_slice %arg7[%add3A, %dma_start3A_220, %dma_start3A_221] : memref<32x64x80xf32, #tpu.memory_space<hbm>> -> memref<1x64x80xf32, #tpu.memory_space<hbm>>
      %dma_start3A_223 = tpu.memref_squeeze %dma_start3A_222 : memref<1x64x80xf32, #tpu.memory_space<hbm>> -> memref<64x80xf32, #tpu.memory_space<hbm>>
      %dma_start3A_224 = arith.constant 0 : i32
      %dma_start3A_225 = tpu.memref_slice %arg15[%mul3A_2, %dma_start3A_224] : memref<1024x80xf32, #tpu.memory_space<vmem_shared>> -> memref<64x80xf32, #tpu.memory_space<vmem_shared>>
      tpu.enqueue_dma source(%dma_start3A_225 : memref<64x80xf32, #tpu.memory_space<vmem_shared>>) target(%dma_start3A_223 : memref<64x80xf32, #tpu.memory_space<hbm>>) target_semaphore(%run_scoped3A_219 : memref<!tpu.dma_semaphore, #tpu.memory_space<semaphore_mem>>)
      %dma_wait3A_226 = arith.constant 0 : i32
      %dma_wait3A_227 = arith.constant 0 : i32
      %dma_wait3A_228 = tpu.memref_slice %arg7[%add3A, %dma_wait3A_226, %dma_wait3A_227] : memref<32x64x80xf32, #tpu.memory_space<hbm>> -> memref<1x64x80xf32, #tpu.memory_space<hbm>>
      %dma_wait3A_229 = tpu.memref_squeeze %dma_wait3A_228 : memref<1x64x80xf32, #tpu.memory_space<hbm>> -> memref<64x80xf32, #tpu.memory_space<hbm>>
      %dma_wait3A_230 = arith.constant 0 : i32
      %dma_wait3A_231 = tpu.memref_slice %arg15[%mul3A_2, %dma_wait3A_230] : memref<1024x80xf32, #tpu.memory_space<vmem_shared>> -> memref<64x80xf32, #tpu.memory_space<vmem_shared>>
      tpu.wait_dma2 semaphore(%run_scoped3A_219 : memref<!tpu.dma_semaphore, #tpu.memory_space<semaphore_mem>>) src(%dma_wait3A_231 : memref<64x80xf32, #tpu.memory_space<vmem_shared>>) dst(%dma_wait3A_229 : memref<64x80xf32, #tpu.memory_space<hbm>>)
      tpu.yield
    }) : () -> ()
    return
  }
}

module attributes {stable_mosaic.version = 14 : i64} {
  func.func @_table_body(%arg0: i32, %arg1: memref<1000x128xf32, #tpu.memory_space<vmem>>, %arg2: memref<128x128xf32, #tpu.memory_space<vmem>>, %arg3: memref<1x128xf32, #tpu.memory_space<vmem>>, %arg4: memref<1000x32xi32, #tpu.memory_space<vmem>>, %arg5: memref<1000x32xi32, #tpu.memory_space<vmem>>) attributes {dimension_semantics = [#tpu.dimension_semantics<arbitrary>], iteration_bounds = array<i64: 10>, scalar_prefetch = 0 : i64, scratch_operands = 0 : i64, tpu.core_type = #tpu.core_type<tc>, window_params = [{transform_indices = @transform_0, window_bounds = array<i64: 1000, 128>}, {pipeline_mode = #tpu.pipeline_mode<synchronous>, transform_indices = @transform_1, window_bounds = array<i64: 128, 128>}, {pipeline_mode = #tpu.pipeline_mode<synchronous>, transform_indices = @transform_2, window_bounds = array<i64: 1, 128>}, {transform_indices = @transform_3, window_bounds = array<i64: 1000, 32>}, {transform_indices = @transform_4, window_bounds = array<i64: 1000, 32>}]} {
    %get3A = arith.constant 0 : index
    %get3A_0 = arith.constant 0 : index
    %get3A_1 = vector.load %arg1[%get3A, %get3A_0] : memref<1000x128xf32, #tpu.memory_space<vmem>>, vector<1000x128xf32>
    %get3A_2 = arith.constant 0 : index
    %get3A_3 = arith.constant 0 : index
    %get3A_4 = vector.load %arg2[%get3A_2, %get3A_3] : memref<128x128xf32, #tpu.memory_space<vmem>>, vector<128x128xf32>
    %dot_general3A = arith.constant dense<0.000000e+00> : vector<1000x128xf32>
    %dot_general3A_5 = tpu.matmul %get3A_1, %get3A_4, %dot_general3A {dimension_numbers = #tpu.dot_dimension_numbers<[1], [0], [0], [1], [0, 0, 1, 1], [], []>, precision = #tpu.contract_precision<fp32>, transpose_lhs_hint = false} : vector<1000x128xf32>, vector<128x128xf32>, vector<1000x128xf32> -> vector<1000x128xf32>
    %get3A_6 = arith.constant 0 : index
    %get3A_7 = arith.constant 0 : index
    %get3A_8 = vector.load %arg3[%get3A_6, %get3A_7] : memref<1x128xf32, #tpu.memory_space<vmem>>, vector<1x128xf32>
    %add3A = vector.broadcast %get3A_8 : vector<1x128xf32> to vector<1000x128xf32>
    %add3A_9 = arith.addf %dot_general3A_5, %add3A : vector<1000x128xf32>
    %slice3A = vector.extract_strided_slice %add3A_9 {offsets = [0, 0], sizes = [1000, 32], strides = [1, 1]} : vector<1000x128xf32> to vector<1000x32xf32>
    %convert_element_type3A = arith.truncf %slice3A : vector<1000x32xf32> to vector<1000x32xbf16>
    %bitcast_convert_type3A = tpu.bitcast %convert_element_type3A : vector<1000x32xbf16> -> vector<1000x32xi16>
    %convert_element_type3A_10 = arith.extsi %bitcast_convert_type3A : vector<1000x32xi16> to vector<1000x32xi32>
    %and3A = arith.constant 65535 : i32
    %and3A_11 = vector.broadcast %and3A : i32 to vector<1000x32xi32>
    %and3A_12 = arith.andi %convert_element_type3A_10, %and3A_11 : vector<1000x32xi32>
    %slice3A_13 = vector.extract_strided_slice %add3A_9 {offsets = [0, 32], sizes = [1000, 32], strides = [1, 1]} : vector<1000x128xf32> to vector<1000x32xf32>
    %convert_element_type3A_14 = arith.truncf %slice3A_13 : vector<1000x32xf32> to vector<1000x32xbf16>
    %bitcast_convert_type3A_15 = tpu.bitcast %convert_element_type3A_14 : vector<1000x32xbf16> -> vector<1000x32xi16>
    %convert_element_type3A_16 = arith.extsi %bitcast_convert_type3A_15 : vector<1000x32xi16> to vector<1000x32xi32>
    %and3A_17 = arith.constant 65535 : i32
    %and3A_18 = vector.broadcast %and3A_17 : i32 to vector<1000x32xi32>
    %and3A_19 = arith.andi %convert_element_type3A_16, %and3A_18 : vector<1000x32xi32>
    %slice3A_20 = vector.extract_strided_slice %add3A_9 {offsets = [0, 64], sizes = [1000, 32], strides = [1, 1]} : vector<1000x128xf32> to vector<1000x32xf32>
    %convert_element_type3A_21 = arith.truncf %slice3A_20 : vector<1000x32xf32> to vector<1000x32xbf16>
    %bitcast_convert_type3A_22 = tpu.bitcast %convert_element_type3A_21 : vector<1000x32xbf16> -> vector<1000x32xi16>
    %convert_element_type3A_23 = arith.extsi %bitcast_convert_type3A_22 : vector<1000x32xi16> to vector<1000x32xi32>
    %and3A_24 = arith.constant 65535 : i32
    %and3A_25 = vector.broadcast %and3A_24 : i32 to vector<1000x32xi32>
    %and3A_26 = arith.andi %convert_element_type3A_23, %and3A_25 : vector<1000x32xi32>
    %slice3A_27 = vector.extract_strided_slice %add3A_9 {offsets = [0, 96], sizes = [1000, 32], strides = [1, 1]} : vector<1000x128xf32> to vector<1000x32xf32>
    %convert_element_type3A_28 = arith.truncf %slice3A_27 : vector<1000x32xf32> to vector<1000x32xbf16>
    %bitcast_convert_type3A_29 = tpu.bitcast %convert_element_type3A_28 : vector<1000x32xbf16> -> vector<1000x32xi16>
    %convert_element_type3A_30 = arith.extsi %bitcast_convert_type3A_29 : vector<1000x32xi16> to vector<1000x32xi32>
    %and3A_31 = arith.constant 65535 : i32
    %and3A_32 = vector.broadcast %and3A_31 : i32 to vector<1000x32xi32>
    %and3A_33 = arith.andi %convert_element_type3A_30, %and3A_32 : vector<1000x32xi32>
    %shift_left3A = arith.constant 16 : i32
    %shift_left3A_34 = vector.broadcast %shift_left3A : i32 to vector<1000x32xi32>
    %shift_left3A_35 = arith.shli %and3A_19, %shift_left3A_34 : vector<1000x32xi32>
    %or3A = arith.ori %and3A_12, %shift_left3A_35 : vector<1000x32xi32>
    %swap3A = arith.constant 0 : index
    %swap3A_36 = arith.constant 0 : index
    %swap3A_37 = vector.load %arg4[%swap3A, %swap3A_36] : memref<1000x32xi32, #tpu.memory_space<vmem>>, vector<1000x32xi32>
    tpu.vector_store %arg4[%swap3A, %swap3A_36], %or3A {strides = array<i32>} : memref<1000x32xi32, #tpu.memory_space<vmem>>, vector<1000x32xi32>,
    %shift_left3A_38 = arith.constant 16 : i32
    %shift_left3A_39 = vector.broadcast %shift_left3A_38 : i32 to vector<1000x32xi32>
    %shift_left3A_40 = arith.shli %and3A_33, %shift_left3A_39 : vector<1000x32xi32>
    %or3A_41 = arith.ori %and3A_26, %shift_left3A_40 : vector<1000x32xi32>
    %swap3A_42 = arith.constant 0 : index
    %swap3A_43 = arith.constant 0 : index
    %swap3A_44 = vector.load %arg5[%swap3A_42, %swap3A_43] : memref<1000x32xi32, #tpu.memory_space<vmem>>, vector<1000x32xi32>
    tpu.vector_store %arg5[%swap3A_42, %swap3A_43], %or3A_41 {strides = array<i32>} : memref<1000x32xi32, #tpu.memory_space<vmem>>, vector<1000x32xi32>,
    return
  }
  func.func @transform_0(%arg0: i32) -> (i32, i32) {
    %c0_i32 = arith.constant 0 : i32
    %c0_i32_0 = arith.constant 0 : i32
    return %arg0, %c0_i32 : i32, i32
  }
  func.func @transform_1(%arg0: i32) -> (i32, i32) {
    %c0_i32 = arith.constant 0 : i32
    %c0_i32_0 = arith.constant 0 : i32
    %c0_i32_1 = arith.constant 0 : i32
    return %c0_i32, %c0_i32_0 : i32, i32
  }
  func.func @transform_2(%arg0: i32) -> (i32, i32) {
    %c0_i32 = arith.constant 0 : i32
    %c0_i32_0 = arith.constant 0 : i32
    %c0_i32_1 = arith.constant 0 : i32
    return %c0_i32, %c0_i32_0 : i32, i32
  }
  func.func @transform_3(%arg0: i32) -> (i32, i32) {
    %c0_i32 = arith.constant 0 : i32
    %c0_i32_0 = arith.constant 0 : i32
    return %arg0, %c0_i32 : i32, i32
  }
  func.func @transform_4(%arg0: i32) -> (i32, i32) {
    %c0_i32 = arith.constant 0 : i32
    %c0_i32_0 = arith.constant 0 : i32
    return %arg0, %c0_i32 : i32, i32
  }
}

module attributes {stable_mosaic.version = 14 : i64} {
  func.func @_head_body(%arg0: memref<32x64x80xf32, #tpu.memory_space<vmem>>, %arg1: memref<64x128xf32, #tpu.memory_space<vmem>>, %arg2: memref<1x128xf32, #tpu.memory_space<vmem>>, %arg3: memref<128x16xf32, #tpu.memory_space<vmem>>, %arg4: memref<1x16xf32, #tpu.memory_space<vmem>>, %arg5: memref<16x8xf32, #tpu.memory_space<vmem>>, %arg6: memref<1x8xf32, #tpu.memory_space<vmem>>, %arg7: memref<64x8xf32, #tpu.memory_space<vmem>>) attributes {dimension_semantics = [], scalar_prefetch = 0 : i64, scratch_operands = 0 : i64, tpu.core_type = #tpu.core_type<tc>} {
    %get3A = arith.constant 0 : index
    %get3A_0 = arith.constant 0 : index
    %get3A_1 = arith.constant 0 : index
    %get3A_2 = vector.load %arg0[%get3A, %get3A_0, %get3A_1] : memref<32x64x80xf32, #tpu.memory_space<vmem>>, vector<1x64x80xf32>
    %get3A_3 = vector.shape_cast %get3A_2 : vector<1x64x80xf32> to vector<64x80xf32>
    %get3A_4 = arith.constant 1 : index
    %get3A_5 = arith.constant 0 : index
    %get3A_6 = arith.constant 0 : index
    %get3A_7 = vector.load %arg0[%get3A_4, %get3A_5, %get3A_6] : memref<32x64x80xf32, #tpu.memory_space<vmem>>, vector<1x64x80xf32>
    %get3A_8 = vector.shape_cast %get3A_7 : vector<1x64x80xf32> to vector<64x80xf32>
    %add3A = arith.addf %get3A_3, %get3A_8 : vector<64x80xf32>
    %get3A_9 = arith.constant 2 : index
    %get3A_10 = arith.constant 0 : index
    %get3A_11 = arith.constant 0 : index
    %get3A_12 = vector.load %arg0[%get3A_9, %get3A_10, %get3A_11] : memref<32x64x80xf32, #tpu.memory_space<vmem>>, vector<1x64x80xf32>
    %get3A_13 = vector.shape_cast %get3A_12 : vector<1x64x80xf32> to vector<64x80xf32>
    %add3A_14 = arith.addf %add3A, %get3A_13 : vector<64x80xf32>
    %get3A_15 = arith.constant 3 : index
    %get3A_16 = arith.constant 0 : index
    %get3A_17 = arith.constant 0 : index
    %get3A_18 = vector.load %arg0[%get3A_15, %get3A_16, %get3A_17] : memref<32x64x80xf32, #tpu.memory_space<vmem>>, vector<1x64x80xf32>
    %get3A_19 = vector.shape_cast %get3A_18 : vector<1x64x80xf32> to vector<64x80xf32>
    %add3A_20 = arith.addf %add3A_14, %get3A_19 : vector<64x80xf32>
    %get3A_21 = arith.constant 4 : index
    %get3A_22 = arith.constant 0 : index
    %get3A_23 = arith.constant 0 : index
    %get3A_24 = vector.load %arg0[%get3A_21, %get3A_22, %get3A_23] : memref<32x64x80xf32, #tpu.memory_space<vmem>>, vector<1x64x80xf32>
    %get3A_25 = vector.shape_cast %get3A_24 : vector<1x64x80xf32> to vector<64x80xf32>
    %add3A_26 = arith.addf %add3A_20, %get3A_25 : vector<64x80xf32>
    %get3A_27 = arith.constant 5 : index
    %get3A_28 = arith.constant 0 : index
    %get3A_29 = arith.constant 0 : index
    %get3A_30 = vector.load %arg0[%get3A_27, %get3A_28, %get3A_29] : memref<32x64x80xf32, #tpu.memory_space<vmem>>, vector<1x64x80xf32>
    %get3A_31 = vector.shape_cast %get3A_30 : vector<1x64x80xf32> to vector<64x80xf32>
    %add3A_32 = arith.addf %add3A_26, %get3A_31 : vector<64x80xf32>
    %get3A_33 = arith.constant 6 : index
    %get3A_34 = arith.constant 0 : index
    %get3A_35 = arith.constant 0 : index
    %get3A_36 = vector.load %arg0[%get3A_33, %get3A_34, %get3A_35] : memref<32x64x80xf32, #tpu.memory_space<vmem>>, vector<1x64x80xf32>
    %get3A_37 = vector.shape_cast %get3A_36 : vector<1x64x80xf32> to vector<64x80xf32>
    %add3A_38 = arith.addf %add3A_32, %get3A_37 : vector<64x80xf32>
    %get3A_39 = arith.constant 7 : index
    %get3A_40 = arith.constant 0 : index
    %get3A_41 = arith.constant 0 : index
    %get3A_42 = vector.load %arg0[%get3A_39, %get3A_40, %get3A_41] : memref<32x64x80xf32, #tpu.memory_space<vmem>>, vector<1x64x80xf32>
    %get3A_43 = vector.shape_cast %get3A_42 : vector<1x64x80xf32> to vector<64x80xf32>
    %add3A_44 = arith.addf %add3A_38, %get3A_43 : vector<64x80xf32>
    %get3A_45 = arith.constant 8 : index
    %get3A_46 = arith.constant 0 : index
    %get3A_47 = arith.constant 0 : index
    %get3A_48 = vector.load %arg0[%get3A_45, %get3A_46, %get3A_47] : memref<32x64x80xf32, #tpu.memory_space<vmem>>, vector<1x64x80xf32>
    %get3A_49 = vector.shape_cast %get3A_48 : vector<1x64x80xf32> to vector<64x80xf32>
    %add3A_50 = arith.addf %add3A_44, %get3A_49 : vector<64x80xf32>
    %get3A_51 = arith.constant 9 : index
    %get3A_52 = arith.constant 0 : index
    %get3A_53 = arith.constant 0 : index
    %get3A_54 = vector.load %arg0[%get3A_51, %get3A_52, %get3A_53] : memref<32x64x80xf32, #tpu.memory_space<vmem>>, vector<1x64x80xf32>
    %get3A_55 = vector.shape_cast %get3A_54 : vector<1x64x80xf32> to vector<64x80xf32>
    %add3A_56 = arith.addf %add3A_50, %get3A_55 : vector<64x80xf32>
    %get3A_57 = arith.constant 10 : index
    %get3A_58 = arith.constant 0 : index
    %get3A_59 = arith.constant 0 : index
    %get3A_60 = vector.load %arg0[%get3A_57, %get3A_58, %get3A_59] : memref<32x64x80xf32, #tpu.memory_space<vmem>>, vector<1x64x80xf32>
    %get3A_61 = vector.shape_cast %get3A_60 : vector<1x64x80xf32> to vector<64x80xf32>
    %add3A_62 = arith.addf %add3A_56, %get3A_61 : vector<64x80xf32>
    %get3A_63 = arith.constant 11 : index
    %get3A_64 = arith.constant 0 : index
    %get3A_65 = arith.constant 0 : index
    %get3A_66 = vector.load %arg0[%get3A_63, %get3A_64, %get3A_65] : memref<32x64x80xf32, #tpu.memory_space<vmem>>, vector<1x64x80xf32>
    %get3A_67 = vector.shape_cast %get3A_66 : vector<1x64x80xf32> to vector<64x80xf32>
    %add3A_68 = arith.addf %add3A_62, %get3A_67 : vector<64x80xf32>
    %get3A_69 = arith.constant 12 : index
    %get3A_70 = arith.constant 0 : index
    %get3A_71 = arith.constant 0 : index
    %get3A_72 = vector.load %arg0[%get3A_69, %get3A_70, %get3A_71] : memref<32x64x80xf32, #tpu.memory_space<vmem>>, vector<1x64x80xf32>
    %get3A_73 = vector.shape_cast %get3A_72 : vector<1x64x80xf32> to vector<64x80xf32>
    %add3A_74 = arith.addf %add3A_68, %get3A_73 : vector<64x80xf32>
    %get3A_75 = arith.constant 13 : index
    %get3A_76 = arith.constant 0 : index
    %get3A_77 = arith.constant 0 : index
    %get3A_78 = vector.load %arg0[%get3A_75, %get3A_76, %get3A_77] : memref<32x64x80xf32, #tpu.memory_space<vmem>>, vector<1x64x80xf32>
    %get3A_79 = vector.shape_cast %get3A_78 : vector<1x64x80xf32> to vector<64x80xf32>
    %add3A_80 = arith.addf %add3A_74, %get3A_79 : vector<64x80xf32>
    %get3A_81 = arith.constant 14 : index
    %get3A_82 = arith.constant 0 : index
    %get3A_83 = arith.constant 0 : index
    %get3A_84 = vector.load %arg0[%get3A_81, %get3A_82, %get3A_83] : memref<32x64x80xf32, #tpu.memory_space<vmem>>, vector<1x64x80xf32>
    %get3A_85 = vector.shape_cast %get3A_84 : vector<1x64x80xf32> to vector<64x80xf32>
    %add3A_86 = arith.addf %add3A_80, %get3A_85 : vector<64x80xf32>
    %get3A_87 = arith.constant 15 : index
    %get3A_88 = arith.constant 0 : index
    %get3A_89 = arith.constant 0 : index
    %get3A_90 = vector.load %arg0[%get3A_87, %get3A_88, %get3A_89] : memref<32x64x80xf32, #tpu.memory_space<vmem>>, vector<1x64x80xf32>
    %get3A_91 = vector.shape_cast %get3A_90 : vector<1x64x80xf32> to vector<64x80xf32>
    %add3A_92 = arith.addf %add3A_86, %get3A_91 : vector<64x80xf32>
    %get3A_93 = arith.constant 16 : index
    %get3A_94 = arith.constant 0 : index
    %get3A_95 = arith.constant 0 : index
    %get3A_96 = vector.load %arg0[%get3A_93, %get3A_94, %get3A_95] : memref<32x64x80xf32, #tpu.memory_space<vmem>>, vector<1x64x80xf32>
    %get3A_97 = vector.shape_cast %get3A_96 : vector<1x64x80xf32> to vector<64x80xf32>
    %add3A_98 = arith.addf %add3A_92, %get3A_97 : vector<64x80xf32>
    %get3A_99 = arith.constant 17 : index
    %get3A_100 = arith.constant 0 : index
    %get3A_101 = arith.constant 0 : index
    %get3A_102 = vector.load %arg0[%get3A_99, %get3A_100, %get3A_101] : memref<32x64x80xf32, #tpu.memory_space<vmem>>, vector<1x64x80xf32>
    %get3A_103 = vector.shape_cast %get3A_102 : vector<1x64x80xf32> to vector<64x80xf32>
    %add3A_104 = arith.addf %add3A_98, %get3A_103 : vector<64x80xf32>
    %get3A_105 = arith.constant 18 : index
    %get3A_106 = arith.constant 0 : index
    %get3A_107 = arith.constant 0 : index
    %get3A_108 = vector.load %arg0[%get3A_105, %get3A_106, %get3A_107] : memref<32x64x80xf32, #tpu.memory_space<vmem>>, vector<1x64x80xf32>
    %get3A_109 = vector.shape_cast %get3A_108 : vector<1x64x80xf32> to vector<64x80xf32>
    %add3A_110 = arith.addf %add3A_104, %get3A_109 : vector<64x80xf32>
    %get3A_111 = arith.constant 19 : index
    %get3A_112 = arith.constant 0 : index
    %get3A_113 = arith.constant 0 : index
    %get3A_114 = vector.load %arg0[%get3A_111, %get3A_112, %get3A_113] : memref<32x64x80xf32, #tpu.memory_space<vmem>>, vector<1x64x80xf32>
    %get3A_115 = vector.shape_cast %get3A_114 : vector<1x64x80xf32> to vector<64x80xf32>
    %add3A_116 = arith.addf %add3A_110, %get3A_115 : vector<64x80xf32>
    %get3A_117 = arith.constant 20 : index
    %get3A_118 = arith.constant 0 : index
    %get3A_119 = arith.constant 0 : index
    %get3A_120 = vector.load %arg0[%get3A_117, %get3A_118, %get3A_119] : memref<32x64x80xf32, #tpu.memory_space<vmem>>, vector<1x64x80xf32>
    %get3A_121 = vector.shape_cast %get3A_120 : vector<1x64x80xf32> to vector<64x80xf32>
    %add3A_122 = arith.addf %add3A_116, %get3A_121 : vector<64x80xf32>
    %get3A_123 = arith.constant 21 : index
    %get3A_124 = arith.constant 0 : index
    %get3A_125 = arith.constant 0 : index
    %get3A_126 = vector.load %arg0[%get3A_123, %get3A_124, %get3A_125] : memref<32x64x80xf32, #tpu.memory_space<vmem>>, vector<1x64x80xf32>
    %get3A_127 = vector.shape_cast %get3A_126 : vector<1x64x80xf32> to vector<64x80xf32>
    %add3A_128 = arith.addf %add3A_122, %get3A_127 : vector<64x80xf32>
    %get3A_129 = arith.constant 22 : index
    %get3A_130 = arith.constant 0 : index
    %get3A_131 = arith.constant 0 : index
    %get3A_132 = vector.load %arg0[%get3A_129, %get3A_130, %get3A_131] : memref<32x64x80xf32, #tpu.memory_space<vmem>>, vector<1x64x80xf32>
    %get3A_133 = vector.shape_cast %get3A_132 : vector<1x64x80xf32> to vector<64x80xf32>
    %add3A_134 = arith.addf %add3A_128, %get3A_133 : vector<64x80xf32>
    %get3A_135 = arith.constant 23 : index
    %get3A_136 = arith.constant 0 : index
    %get3A_137 = arith.constant 0 : index
    %get3A_138 = vector.load %arg0[%get3A_135, %get3A_136, %get3A_137] : memref<32x64x80xf32, #tpu.memory_space<vmem>>, vector<1x64x80xf32>
    %get3A_139 = vector.shape_cast %get3A_138 : vector<1x64x80xf32> to vector<64x80xf32>
    %add3A_140 = arith.addf %add3A_134, %get3A_139 : vector<64x80xf32>
    %get3A_141 = arith.constant 24 : index
    %get3A_142 = arith.constant 0 : index
    %get3A_143 = arith.constant 0 : index
    %get3A_144 = vector.load %arg0[%get3A_141, %get3A_142, %get3A_143] : memref<32x64x80xf32, #tpu.memory_space<vmem>>, vector<1x64x80xf32>
    %get3A_145 = vector.shape_cast %get3A_144 : vector<1x64x80xf32> to vector<64x80xf32>
    %add3A_146 = arith.addf %add3A_140, %get3A_145 : vector<64x80xf32>
    %get3A_147 = arith.constant 25 : index
    %get3A_148 = arith.constant 0 : index
    %get3A_149 = arith.constant 0 : index
    %get3A_150 = vector.load %arg0[%get3A_147, %get3A_148, %get3A_149] : memref<32x64x80xf32, #tpu.memory_space<vmem>>, vector<1x64x80xf32>
    %get3A_151 = vector.shape_cast %get3A_150 : vector<1x64x80xf32> to vector<64x80xf32>
    %add3A_152 = arith.addf %add3A_146, %get3A_151 : vector<64x80xf32>
    %get3A_153 = arith.constant 26 : index
    %get3A_154 = arith.constant 0 : index
    %get3A_155 = arith.constant 0 : index
    %get3A_156 = vector.load %arg0[%get3A_153, %get3A_154, %get3A_155] : memref<32x64x80xf32, #tpu.memory_space<vmem>>, vector<1x64x80xf32>
    %get3A_157 = vector.shape_cast %get3A_156 : vector<1x64x80xf32> to vector<64x80xf32>
    %add3A_158 = arith.addf %add3A_152, %get3A_157 : vector<64x80xf32>
    %get3A_159 = arith.constant 27 : index
    %get3A_160 = arith.constant 0 : index
    %get3A_161 = arith.constant 0 : index
    %get3A_162 = vector.load %arg0[%get3A_159, %get3A_160, %get3A_161] : memref<32x64x80xf32, #tpu.memory_space<vmem>>, vector<1x64x80xf32>
    %get3A_163 = vector.shape_cast %get3A_162 : vector<1x64x80xf32> to vector<64x80xf32>
    %add3A_164 = arith.addf %add3A_158, %get3A_163 : vector<64x80xf32>
    %get3A_165 = arith.constant 28 : index
    %get3A_166 = arith.constant 0 : index
    %get3A_167 = arith.constant 0 : index
    %get3A_168 = vector.load %arg0[%get3A_165, %get3A_166, %get3A_167] : memref<32x64x80xf32, #tpu.memory_space<vmem>>, vector<1x64x80xf32>
    %get3A_169 = vector.shape_cast %get3A_168 : vector<1x64x80xf32> to vector<64x80xf32>
    %add3A_170 = arith.addf %add3A_164, %get3A_169 : vector<64x80xf32>
    %get3A_171 = arith.constant 29 : index
    %get3A_172 = arith.constant 0 : index
    %get3A_173 = arith.constant 0 : index
    %get3A_174 = vector.load %arg0[%get3A_171, %get3A_172, %get3A_173] : memref<32x64x80xf32, #tpu.memory_space<vmem>>, vector<1x64x80xf32>
    %get3A_175 = vector.shape_cast %get3A_174 : vector<1x64x80xf32> to vector<64x80xf32>
    %add3A_176 = arith.addf %add3A_170, %get3A_175 : vector<64x80xf32>
    %get3A_177 = arith.constant 30 : index
    %get3A_178 = arith.constant 0 : index
    %get3A_179 = arith.constant 0 : index
    %get3A_180 = vector.load %arg0[%get3A_177, %get3A_178, %get3A_179] : memref<32x64x80xf32, #tpu.memory_space<vmem>>, vector<1x64x80xf32>
    %get3A_181 = vector.shape_cast %get3A_180 : vector<1x64x80xf32> to vector<64x80xf32>
    %add3A_182 = arith.addf %add3A_176, %get3A_181 : vector<64x80xf32>
    %get3A_183 = arith.constant 31 : index
    %get3A_184 = arith.constant 0 : index
    %get3A_185 = arith.constant 0 : index
    %get3A_186 = vector.load %arg0[%get3A_183, %get3A_184, %get3A_185] : memref<32x64x80xf32, #tpu.memory_space<vmem>>, vector<1x64x80xf32>
    %get3A_187 = vector.shape_cast %get3A_186 : vector<1x64x80xf32> to vector<64x80xf32>
    %add3A_188 = arith.addf %add3A_182, %get3A_187 : vector<64x80xf32>
    %slice3A = vector.extract_strided_slice %add3A_188 {offsets = [0, 0], sizes = [64, 64], strides = [1, 1]} : vector<64x80xf32> to vector<64x64xf32>
    %slice3A_189 = vector.extract_strided_slice %add3A_188 {offsets = [0, 64], sizes = [64, 1], strides = [1, 1]} : vector<64x80xf32> to vector<64x1xf32>
    %get3A_190 = arith.constant 0 : index
    %get3A_191 = arith.constant 0 : index
    %get3A_192 = vector.load %arg1[%get3A_190, %get3A_191] : memref<64x128xf32, #tpu.memory_space<vmem>>, vector<64x128xf32>
    %dot_general3A = arith.constant dense<0.000000e+00> : vector<64x128xf32>
    %dot_general3A_193 = tpu.matmul %slice3A, %get3A_192, %dot_general3A {dimension_numbers = #tpu.dot_dimension_numbers<[1], [0], [0], [1], [0, 0, 1, 1], [], []>, precision = #tpu.contract_precision<fp32>, transpose_lhs_hint = false} : vector<64x64xf32>, vector<64x128xf32>, vector<64x128xf32> -> vector<64x128xf32>
    %get3A_194 = arith.constant 0 : index
    %get3A_195 = arith.constant 0 : index
    %get3A_196 = vector.load %arg2[%get3A_194, %get3A_195] : memref<1x128xf32, #tpu.memory_space<vmem>>, vector<1x128xf32>
    %mul3A = vector.broadcast %slice3A_189 : vector<64x1xf32> to vector<64x128xf32>
    %mul3A_197 = vector.broadcast %get3A_196 : vector<1x128xf32> to vector<64x128xf32>
    %mul3A_198 = arith.mulf %mul3A, %mul3A_197 : vector<64x128xf32>
    %add3A_199 = arith.addf %dot_general3A_193, %mul3A_198 : vector<64x128xf32>
    %get3A_200 = arith.constant 0 : index
    %get3A_201 = arith.constant 0 : index
    %get3A_202 = vector.load %arg3[%get3A_200, %get3A_201] : memref<128x16xf32, #tpu.memory_space<vmem>>, vector<128x16xf32>
    %dot_general3A_203 = arith.constant dense<0.000000e+00> : vector<64x16xf32>
    %dot_general3A_204 = tpu.matmul %add3A_199, %get3A_202, %dot_general3A_203 {dimension_numbers = #tpu.dot_dimension_numbers<[1], [0], [0], [1], [0, 0, 1, 1], [], []>, precision = #tpu.contract_precision<fp32>, transpose_lhs_hint = false} : vector<64x128xf32>, vector<128x16xf32>, vector<64x16xf32> -> vector<64x16xf32>
    %get3A_205 = arith.constant 0 : index
    %get3A_206 = arith.constant 0 : index
    %get3A_207 = vector.load %arg4[%get3A_205, %get3A_206] : memref<1x16xf32, #tpu.memory_space<vmem>>, vector<1x16xf32>
    %add3A_208 = vector.broadcast %get3A_207 : vector<1x16xf32> to vector<64x16xf32>
    %add3A_209 = arith.addf %dot_general3A_204, %add3A_208 : vector<64x16xf32>
    %max3A = arith.constant 0.000000e+00 : f32
    %max3A_210 = vector.broadcast %max3A : f32 to vector<64x16xf32>
    %max3A_211 = arith.maximumf %add3A_209, %max3A_210 : vector<64x16xf32>
    %get3A_212 = arith.constant 0 : index
    %get3A_213 = arith.constant 0 : index
    %get3A_214 = vector.load %arg5[%get3A_212, %get3A_213] : memref<16x8xf32, #tpu.memory_space<vmem>>, vector<16x8xf32>
    %dot_general3A_215 = arith.constant dense<0.000000e+00> : vector<64x8xf32>
    %dot_general3A_216 = tpu.matmul %max3A_211, %get3A_214, %dot_general3A_215 {dimension_numbers = #tpu.dot_dimension_numbers<[1], [0], [0], [1], [0, 0, 1, 1], [], []>, precision = #tpu.contract_precision<fp32>, transpose_lhs_hint = false} : vector<64x16xf32>, vector<16x8xf32>, vector<64x8xf32> -> vector<64x8xf32>
    %get3A_217 = arith.constant 0 : index
    %get3A_218 = arith.constant 0 : index
    %get3A_219 = vector.load %arg6[%get3A_217, %get3A_218] : memref<1x8xf32, #tpu.memory_space<vmem>>, vector<1x8xf32>
    %add3A_220 = vector.broadcast %get3A_219 : vector<1x8xf32> to vector<64x8xf32>
    %add3A_221 = arith.addf %dot_general3A_216, %add3A_220 : vector<64x8xf32>
    %swap3A = arith.constant 0 : index
    %swap3A_222 = arith.constant 0 : index
    %swap3A_223 = vector.load %arg7[%swap3A, %swap3A_222] : memref<64x8xf32, #tpu.memory_space<vmem>>, vector<64x8xf32>
    tpu.vector_store %arg7[%swap3A, %swap3A_222], %add3A_221 {strides = array<i32>} : memref<64x8xf32, #tpu.memory_space<vmem>>, vector<64x8xf32>,
    return
  }
}

</mosaic_0001>

<sc_bundles>
// kernel: kernel.5.cloned.1.call-start
scs
__scs_entry_jumppad:
0x0: {  	(pc) =	sbr.rel $0x88, $3  }
0x1: {  	(tag) =	ssettag $0x0;
	lr =	simm.s32 $0x1  }
0x2: {  	[smem:$0x3F96] =	sst lr;
	_ =	strace $0xD0000000  }
0x3: {  	_ = 	snop  }
0x4: {  	_ = 	snop  }
0x5: {  	_ = 	snop  }
0x6: {  	_ = 	snop  }
0x7: {  	_ = 	snop  }
__scs_overlays_trampoline_lowered:
0x8: {  	[smem:$0x3FA5] =	sst s0  }
0x9: {  	[smem:$0x3FA6] =	sst s1  }
0xa: {  	[smem:$0x3FA7] =	sst s2  }
0xb: {  	[smem:$0x3FA8] =	sst s3  }
0xc: {  	[smem:$0x3FA9] =	sst s4  }
0xd: {  	[smem:$0x3FAA] =	sst s5  }
0xe: {  	[smem:$0x3FAB] =	sst s6  }
0xf: {  	[smem:$0x3FAC] =	sst s7  }
0x10: {  	[smem:$0x3FAD] =	sst s8  }
0x11: {  	[smem:$0x3FAE] =	sst s9;
	s0 =	simm.s32 @!p0 $0x0  }
0x12: {  	s1 =	sld [smem:$0x3F94];
	s0 =	simm.s32 @p0 $0x1  }
0x13: {  	[smem:$0x3FAF] =	sst s0;
	s0 =	simm.s32 @!p1 $0x0  }
0x14: {  	s2 =	sld [smem:$0x3F93];
	s0 =	simm.s32 @p1 $0x1  }
0x15: {  	[smem:$0x3FB0] =	sst s0;
	s0 =	simm.s32 @!p2 $0x0  }
0x16: {  	s3 =	sld [smem:$0x3FDB];
	s0 =	simm.s32 @p2 $0x1  }
0x17: {  	s4 =	simm.s32 $0x1BF5;
	[smem:$0x3FB2] =	sst s0  }
0x18: {  	s0 =	sld [smem:$0x3F95];
	_ =	swait.ge [sflag:s4], $0x0  }
0x19: {  	s7 =	sld [smem:$0x3F96]  }
0x1a: {  	s8 =	sadd.s32 $0xFFFFE003, lr  }
0x1b: {  	s9 =	sadd.s32 $0xFFFFFEF7, lr;
	s5 =	simm.s32 $0xFFFFFFFF;
	p2 =	slt.u32 s8, $0xFFFFF086  }
0x1c: {  	p1 =	slt.u32 s9, $0xF7A;
	s5 =	simm.s32 @!p2 $0x0  }
0x1d: {  	s5 =	simm.s32 @p1 $0x1;
	p0 =	seq.s32 s7, s2  }
0x1e: {  	s7 =	smul.u32 @!p0 $0xF7A, s2;
	p2 =	seq.s32 @!p0 s5, $0x0  }
0x1f: {  	s9 =	smul.u32 $0xF7A, s1;
	s8 =	simm.s32 @!p0 $0x1BF5;
	p2 =	por !p2, p0  }
0x20: {  	[sflag:s8] =	ssyncset.s32 @!p0 $0xFFFFF086;
	s6 =	sadd.s32 @!p0 s3, s7;
	s7 =	simm.s32 @!p0 $0x108  }
0x21: {  	s3 =	sadd.s32 s3, s9;
	s6 =	sadd.s32 @!p0 $0x88, s6;
	s7 =	simm.s32 @p2 $0x1082  }
0x22: {  	[simem:s7], [sflag:s8] =	dma.local @!p0 [hbm:s6], $0xF7A  }
0x23: {  	s9 =	sor.u32 $0xD0000000, s2;
	s6 =	simm.s32 $0x108;
	_ =	swait.ge @!p0 [sflag:s8], $0x0  }
0x24: {  	s3 =	sadd.s32 $0x88, s3;
	s6 =	simm.s32 @!p1 $0x1082;
	[sflag:s4] =	ssyncset.s32 $0xFFFFF086  }
0x25: {  	[simem:s6], [sflag:s4] =	dma.local [hbm:s3], $0xF7A  }
0x26: {  	[smem:$0x3F96] =	sst s1;
	(tag) =	ssettag s2;
	_ =	strace s9  }
0x27: {  	s1 =	sld [smem:$0x3FA6]  }
0x28: {  	s2 =	sld [smem:$0x3FA7]  }
0x29: {  	s4 =	sld [smem:$0x3FA9]  }
0x2a: {  	p0 =	seq.s32 s5, $0x0;
	s5 =	sld [smem:$0x3FAA]  }
0x2b: {  	s6 =	sld [smem:$0x3FAB]  }
0x2c: {  	s7 =	sld [smem:$0x3FAC]  }
0x2d: {  	s3 =	simm.s32 $0x108;
	s8 =	sld [smem:$0x3FAD]  }
0x2e: {  	s3 =	simm.s32 @!p0 $0x1082;
	s9 =	sld [smem:$0x3FAE]  }
0x2f: {  	lr =	sadd.s32 s0, s3;
	s0 =	sld [smem:$0x3FA5]  }
0x30: {  	s3 =	sld [smem:$0x3FA8]  }
0x31: {  	[smem:$0x3FB1] =	sst s10  }
0x32: {  	s10 =	sld [smem:$0x3FAF];
	_ =	sdelay $0x3  }
0x33: {  	p0 =	seq.s32 s10, $0x1;
	s10 =	sld [smem:$0x3FB1];
	_ =	sdelay $0x3  }
0x34: {  	[smem:$0x3FB1] =	sst s10  }
0x35: {  	s10 =	sld [smem:$0x3FB0];
	_ =	sdelay $0x3  }
0x36: {  	p1 =	seq.s32 s10, $0x1;
	s10 =	sld [smem:$0x3FB1];
	_ =	sdelay $0x3  }
0x37: {  	[smem:$0x3FB1] =	sst s10  }
0x38: {  	s10 =	sld [smem:$0x3FB2]  }
0x39: {  	_ = 	snop;
	(pc) =	sbr.ind lr, $3  }
0x3a: {  	_ = 	snop  }
0x3b: {  	_ = 	snop  }
0x3c: {  	p2 =	seq.s32 s10, $0x1;
	s10 =	sld [smem:$0x3FB1]  }
0x3d: {  	_ =	shalt  }
0x3e: {  	_ =	shalt  }
0x3f: {  	_ =	shalt  }
0x40: {  	_ =	shalt  }
0x41: {  	_ =	shalt  }
0x42: {  	_ =	shalt  }
0x43: {  	_ =	shalt  }
0x44: {  	_ =	shalt  }
0x45: {  	_ =	shalt  }
0x46: {  	_ =	shalt  }
0x47: {  	_ =	shalt  }
0x48: {  	_ =	shalt  }
0x49: {  	_ =	shalt  }
0x4a: {  	_ =	shalt  }
0x4b: {  	_ =	shalt  }
0x4c: {  	_ =	shalt  }
0x4d: {  	_ =	shalt  }
0x4e: {  	_ =	shalt  }
0x4f: {  	_ =	shalt  }
0x50: {  	_ =	shalt  }
0x51: {  	_ =	shalt  }
0x52: {  	_ =	shalt  }
0x53: {  	_ =	shalt  }
0x54: {  	_ =	shalt  }
0x55: {  	_ =	shalt  }
0x56: {  	_ =	shalt  }
0x57: {  	_ =	shalt  }
0x58: {  	_ =	shalt  }
0x59: {  	_ =	shalt  }
0x5a: {  	_ =	shalt  }
0x5b: {  	_ =	shalt  }
0x5c: {  	_ =	shalt  }
0x5d: {  	_ =	shalt  }
0x5e: {  	_ =	shalt  }
0x5f: {  	_ =	shalt  }
0x60: {  	_ =	shalt  }
0x61: {  	_ =	shalt  }
0x62: {  	_ =	shalt  }
0x63: {  	_ =	shalt  }
0x64: {  	_ =	shalt  }
0x65: {  	_ =	shalt  }
0x66: {  	_ =	shalt  }
0x67: {  	_ =	shalt  }
0x68: {  	_ =	shalt  }
0x69: {  	_ =	shalt  }
0x6a: {  	_ =	shalt  }
0x6b: {  	_ =	shalt  }
0x6c: {  	_ =	shalt  }
0x6d: {  	_ =	shalt  }
0x6e: {  	_ =	shalt  }
0x6f: {  	_ =	shalt  }
0x70: {  	_ =	shalt  }
0x71: {  	_ =	shalt  }
0x72: {  	_ =	shalt  }
0x73: {  	_ =	shalt  }
0x74: {  	_ =	shalt  }
0x75: {  	_ =	shalt  }
0x76: {  	_ =	shalt  }
0x77: {  	_ =	shalt  }
0x78: {  	_ =	shalt  }
0x79: {  	_ =	shalt  }
0x7a: {  	_ =	shalt  }
0x7b: {  	_ =	shalt  }
0x7c: {  	_ =	shalt  }
0x7d: {  	_ =	shalt  }
0x7e: {  	_ =	shalt  }
0x7f: {  	_ =	shalt  }
0x80: {  	_ =	shalt  }
0x81: {  	_ =	shalt  }
0x82: {  	_ =	shalt  }
0x83: {  	_ =	shalt  }
0x84: {  	_ =	shalt  }
0x85: {  	_ =	shalt  }
0x86: {  	_ =	shalt  }
0x87: {  	_ =	shalt  }
.Lfunc_end0:
.L_simem_size_0:
called_computation_lowered:
.L_overlay_start_0:
0x88: {  	s2 =	sld [smem:$0x3FD9]  }
0x89: {  	s3 =	sld [smem:$0x3FFE];
	_ =	sdelay $0x1  }
0x8a: {  	s1 =	srdreg.scid  }
0x8b: {  	s0 =	sand.u32 $0x1, s1  }
0x8c: {  	s17 =	sshll.u32 s0, $0xA;
	s2 =	sadd.s32 s3, s2  }
0x8d: {  	s2 =	sadd.s32 s2, s17  }
0x8e: {  	[smem:$0x3FBD] =	sst s2  }
0x8f: {  	_ = 	snop  }
0x90: {  	s2 =	sld [smem:$0x3FC7];
	(tm) =	ssettm $0x1  }
0x91: {  	s18 =	sld [smem:$0x3FFB];
	_ =	sdelay $0x3  }
0x92: {  	_ =	strace s18  }
0x93: {  	s3 =	sld [smem:$0x3FFC];
	_ =	sdelay $0x3  }
0x94: {  	_ =	strace s3  }
0x95: {  	s3 =	sld [smem:$0x3FFD];
	_ =	sdelay $0x3  }
0x96: {  	_ =	strace s3  }
0x97: {  	_ =	strace $0x8FFFFFFF  }
0x98: {  	s19 =	sld [smem:$0x3FDB];
	_ =	sdelay $0x1  }
0x99: {  	s4 =	simm.s32 $_scs_section_size  }
0x9a: {  	s5 =	simm.s32 $_size__tile_overlayer_lowered;
	s6 =	simm.s32 $_tile_overlayer_lowered  }
0x9b: {  	s22 =	simm.s32 $0x1BFF;
	s21 =	sshll.u32 s6, $0x1;
	s3 =	sadd.s32 s4, s19  }
0x9c: {  	s7 =	simm.s32 $0x0;
	s20 =	sshll.u32 s5, $0x1;
	s5 =	sadd.s32 s21, s3  }
0x9d: {  	[timem:s7], [sflag:s22] =	dma.local [hbm:s5], s20  }
0x9e: {  	_ =	swait.ge [sflag:s22], s20  }
0x9f: {  	s4 =	ssub.s32 $0x0, s20;
	[sflag:s22] =	ssyncset.done $0x0  }
0xa0: {  	[sflag:s22] =	ssyncadd.s32 s4;
	_ =	sdelay $0x1  }
0xa1: {  	s23 =	simm.s32 $0x1B8B  }
0xa2: {  	_ =	swait.ge [sflag:s23], $0x1  }
0xa3: {  	[sflag:s23] =	ssyncset.done $0x0  }
0xa4: {  	s25 =	simm.s32 $0x1B8E;
	s24 =	sld [smem:$0x3FFE];
	[sflag:s23] =	ssyncadd.s32 $0xFFFFFFFF  }
0xa5: {  	s26 =	simm.s32 $execute0_lowered;
	[smem:$0x3FD2] =	sst s25  }
0xa6: {  	s5 =	sshll.u32 s26, $0x1;
	_ =	strace $0x80000046;
	[dreg:$0x1] =	wrdreg $0xFFFFFFFF  }
0xa7: {  	s28 =	simm.s32 $_size_execute0_lowered;
	s3 =	sadd.s32 s3, s5;
	[dreg:$0x0] =	wrdreg $0x0  }
0xa8: {  	s5 =	sshll.u32 s28, $0x1;
	[dreg:$0x2] =	wrdreg s3  }
0xa9: {  	[dreg:$0x3] =	wrdreg s5  }
0xaa: {  	[dreg:$0x4] =	wrdreg $0xC0  }
0xab: {  	_ =	task [dreg:s7], $0x5FFFF  }
0xac: {  	[dreg:$0x1] =	wrdreg $0xFFFFFFFF  }
0xad: {  	[dreg:$0x0] =	wrdreg $0x60  }
0xae: {  	[dreg:$0x2] =	wrdreg s24  }
0xaf: {  	[dreg:$0x3] =	wrdreg s2  }
0xb0: {  	[dreg:$0x4] =	wrdreg $0x157C00  }
0xb1: {  	[dreg:$0x5] =	wrdreg $0x9  }
0xb2: {  	_ =	task.clear_ibuf [dreg:s7], $0x6FFFF;
	_ =	strace $0x90000046  }
0xb3: {  	s29 =	simm.s32 $0x9;
	_ =	strace $0x80000048  }
0xb4: {  	_ =	swait.ge [sflag:s29], $0x1  }
0xb5: {  	[sflag:s29] =	ssyncadd.s32 $0xFFFFFFFF  }
0xb6: {  	_ =	strace $0x90000048  }
0xb7: {  	_ =	sfence  }
0xb8: {  	s30 =	sld [smem:$0x0];
	_ =	sdelay $0x2  }
0xb9: {  	s31 =	sshll.u32 s1, $0xD;
	s1 =	sshrl.u32 s1, $0x2  }
0xba: {  	s3 =	sand.u32 $0x4000, s31;
	s1 =	sadd.s32 s1, s30  }
0xbb: {  	s0 =	sor.u32 s3, s0;
	s1 =	sshll.u32 s1, $0x11  }
0xbc: {  	s0 =	sor.u32 s1, s0  }
0xbd: {  	s0 =	sadd.s32 $0x8F2B, s0  }
0xbe: {  	[sflag:s0] =	ssyncadd.remote.s32 $0x1  }
0xbf: {  	_ =	sfence.sel $0xFFFF  }
0xc0: {  	[dreg:$0x0] =	wrdreg $0xFFFFFFFF;
	(pc) =	sbr.abs _section_cstart, $3  }
0xc1: {  	[dreg:$0x1] =	wrdreg $0xFFFFFFFF  }
0xc2: {  	_ =	task.clear_ibuf [dreg:s7], $0x2FFFF;
	_ =	strace $0x9FFFFFFF  }
0xc3: {  	(tm) =	ssettm $0x7FFFFFFF  }
tec
execute0_lowered:
.L_overlay_start_1:
0x0: {  	(tag) =	ssettag $0x1  }
0x1: {  	s0 =	rddreg [dreg:$0x0]  }
0x2: {  	s3 =	rddreg [dreg:$0x2];
	s4 =	simm.s32 $0x0  }
0x3: {  	s1 =	srdreg.scid;
	s20 =	simm.s32 $0x9D30;
	[smem:$0x7FF] =	sst s4  }
0x4: {  	s21 =	simm.s32 $0xCF30;
	_ =	strace $0x80000047;
	[dreg:$0x4] =	wrdreg s20  }
0x5: {  	s10 =	stileid.u32;
	s22 =	simm.s32 $0x15630;
	[dreg:$0x5] =	wrdreg s21  }
0x6: {  	s13 =	simm.s32 $0xB;
	s23 =	simm.s32 $0x15680;
	[dreg:$0x6] =	wrdreg s22  }
0x7: {  	s14 =	simm.s32 $0x2710;
	s24 =	simm.s32 $0xF230;
	[dreg:$0x7] =	wrdreg s23  }
0x8: {  	s15 =	simm.s32 $0x4E20;
	s25 =	simm.s32 $0x156D0;
	[dreg:$0x8] =	wrdreg s24  }
0x9: {  	s16 =	simm.s32 $0xD930;
	s26 =	simm.s32 $0x10B30;
	[dreg:$0x9] =	wrdreg s25  }
0xa: {  	s28 =	simm.s32 $0x15720;
	s29 =	simm.s32 $0x12430;
	[dreg:$0xa] =	wrdreg s26  }
0xb: {  	s30 =	simm.s32 $0x15770;
	s31 =	simm.s32 $0x13D30;
	[dreg:$0xb] =	wrdreg s28  }
0xc: {  	s1 =	sand.u32 $0x1, s1;
	s5 =	sadd.s32 $0xAE00, s0;
	[dreg:$0xc] =	wrdreg s29  }
0xd: {  	s6 =	sadd.s32 $0x1000, s0;
	s8 =	smul.u32 $0x5000, s10;
	[dreg:$0xd] =	wrdreg s30  }
0xe: {  	s2 =	sshll.u32 s1, $0x4;
	s1 =	ssub.s32 $0x2, s1;
	[dreg:$0xe] =	wrdreg s31  }
0xf: {  	s20 =	simm.s32 $0x5;
	s21 =	simm.s32 $0x6;
	s22 =	simm.s32 $0x7  }
0x10: {  	s23 =	simm.s32 $0x8;
	s24 =	simm.s32 $0x9;
	s2 =	sor.u32 s10, s2  }
0x11: {  	s25 =	simm.s32 $0xA;
	s17 =	sshrl.u32 s1, $0x1;
	s7 =	smul.u32 $0x4E2, s2  }
0x12: {  	s26 =	simm.s32 $0x0;
	s2 =	smul.u32 $0x280, s2;
	s1 =	ssub.s32 s1, s17  }
0x13: {  	s18 =	sshrl.u32 s8, $0x2;
	s17 =	simm.s32 $0x50;
	s12 =	smax.u32 s1, $0x1  }
0x14: {  	s1 =	simm.s32 $0x1;
	s9 =	sadd.s32 s7, s0;
	s0 =	sadd.s32 s2, s0  }
0x15: {  	s7 =	sshll.u32 s10, $0x6;
	s10 =	sadd.s32 s18, s3;
	s2 =	simm.s32 $0x2  }
0x16: {  	v0 =	vimm.f32 $0.0e+00;
	vm0 =	vcmask $0x300;
	s18 =	simm.s32 $0x3;
	s19 =	sadd.s32 $0x1EA00, s9;
	s9 =	sadd.s32 $0x14C00, s9  }
0x17: {  	v2 =	vsel vm0, $0x3F800000, v0;
	s11 =	sadd.s32 $0x28800, s0;
	v1 =	vmov s7;
	[dreg:$0xf] =	wrdreg s19;
	s19 =	simm.s32 $0x4  }
.LBB2_1:
0x18: {  	s0 =	rddreg [dreg:$0x1]  }
0x19: {  	[tilespmem:s4], [sflag:$0xB] =	stream.linear.gather [hbm4b:s0+s4], $0x2710, $0x38;
	[tilespmem:$0x16BC0] =	vst v63  }
0x1a: {  	_ =	swait.ge [sflag:s13], $0x2710  }
0x1b: {  	[sflag:s13] =	ssyncset.done $0x0  }
0x1c: {  	s31 =	rddreg [dreg:$0xf];
	[sflag:s13] =	ssyncadd.s32 $0xFFFFD8F0  }
0x1d: {  	[tilespmem:s14], [sflag:$0xB] =	stream.linear.gather [hbm4b:s31+s4], $0x2710, $0x38;
	[tilespmem:$0x16BC0] =	vst v63  }
0x1e: {  	_ =	swait.ge [sflag:s13], $0x2710  }
0x1f: {  	[sflag:s13] =	ssyncset.done $0x0  }
0x20: {  	[sflag:s13] =	ssyncadd.s32 $0xFFFFD8F0  }
0x21: {  	[tilespmem:s15], [sflag:$0xB] =	stream.linear.gather [hbm4b:s9+s4], $0x2710, $0x38;
	[tilespmem:$0x16BC0] =	vst v63  }
0x22: {  	_ =	swait.ge [sflag:s13], $0x2710  }
0x23: {  	[sflag:s13] =	ssyncset.done $0x0  }
0x24: {  	s29 =	simm.s32 $0x140;
	s28 =	simm.s32 $0x0;
	[sflag:s13] =	ssyncadd.s32 $0xFFFFD8F0  }
.LBB2_2:
0x25: {  	p0 =	sne.s32 s29, $0x4EC0;
	[tilespmem:s28+$0xD970] =	vst v0;
	s30 =	smov.u32 s29;
	s29 =	sadd.s32 $0x140, s29  }
.Ltmp0:
0x26: {  	[tilespmem:s28+$0xD960] =	vst v0;
	(pc) =	sbr.rel @p0 .LBB2_2-.Ltmp0, $4  }
0x27: {  	[tilespmem:s28+$0xD950] =	vst v0  }
0x28: {  	[tilespmem:s28+$0xD930] =	vst v0  }
0x29: {  	[tilespmem:s28+$0xD940] =	vst v0  }
0x2a: {  	s28 =	sshra.s32 s30, $0x2  }
0x2b: {  	[tilespmem:s28+$0xD970] =	vst v0  }
0x2c: {  	[tilespmem:s28+$0xD960] =	vst v0  }
0x2d: {  	[tilespmem:s28+$0xD950] =	vst v0  }
0x2e: {  	[tilespmem:s28+$0xD930] =	vst v0  }
0x2f: {  	[tilespmem:s28+$0xD940] =	vst v0  }
0x30: {  	[spmem:s10] =	stream.linear.scatter [tilespmem:s16], [sflag:$0xB], $0x1400, $0x38;
	[tilespmem:$0x16BC0] =	vst v63  }
0x31: {  	_ =	swait.ge [sflag:s13], $0x1400  }
0x32: {  	[sflag:s13] =	ssyncset.done $0x0  }
0x33: {  	s29 =	simm.s32 $0xFFFF9D40;
	s28 =	simm.s32 $0xFFFFE700;
	[sflag:s13] =	ssyncadd.s32 $0xFFFFEC00  }
.LBB2_4:
0x34: {  	p0 =	sne.s32 s29, $0xFFFFFEC0;
	[tilespmem:s28+$0x15670] =	vst v2;
	s30 =	smov.u32 s29;
	s29 =	sadd.s32 $0x140, s29  }
.Ltmp1:
0x35: {  	[tilespmem:s28+$0x13D70] =	vst v2;
	(pc) =	sbr.rel @p0 .LBB2_4-.Ltmp1, $4  }
0x36: {  	[tilespmem:s28+$0x12470] =	vst v2  }
0x37: {  	[tilespmem:s28+$0xF270] =	vst v2  }
0x38: {  	[tilespmem:s28+$0x10B70] =	vst v2  }
0x39: {  	s28 =	sshra.s32 s30, $0x2  }
0x3a: {  	[tilespmem:s28+$0x15670] =	vst v2  }
0x3b: {  	[tilespmem:s28+$0x13D70] =	vst v2  }
0x3c: {  	[tilespmem:s28+$0x12470] =	vst v2  }
0x3d: {  	[tilespmem:s28+$0xF270] =	vst v2  }
0x3e: {  	[tilespmem:s28+$0x10B70] =	vst v2;
	s0 =	simm.s32 $0x7530  }
0x3f: {  	[tilespmem:s0], [sflag:$0x1] =	stream.indirect.gather [hbm4b:s5+s17], $0x20, s14, s17, $0xb8;
	[tilespmem:$0x16BC0] =	vst v63  }
0x40: {  	s8 =	simm.s32 $0xA730  }
0x41: {  	[tilespmem:s8], [sflag:$0x1] =	stream.indirect.gather [hbm4b:s6+s17], $0x20, s15, s17, $0xb8;
	[tilespmem:$0x16BC0] =	vst v63  }
0x42: {  	s29 =	simm.s32 $0x2760;
	s8 =	simm.s32 $0x7F30  }
0x43: {  	[tilespmem:s8], [sflag:$0x2] =	stream.indirect.gather [hbm4b:s5+s17], $0x20, s29, s17, $0xb8;
	[tilespmem:$0x16BC0] =	vst v63  }
0x44: {  	s30 =	simm.s32 $0x4E70;
	s31 =	simm.s32 $0xB130  }
0x45: {  	[tilespmem:s31], [sflag:$0x2] =	stream.indirect.gather [hbm4b:s6+s17], $0x20, s30, s17, $0xb8;
	[tilespmem:$0x16BC0] =	vst v63  }
0x46: {  	s8 =	simm.s32 $0x27B0;
	s29 =	simm.s32 $0x8930  }
0x47: {  	[tilespmem:s29], [sflag:$0x3] =	stream.indirect.gather [hbm4b:s5+s17], $0x20, s8, s17, $0xb8;
	[tilespmem:$0x16BC0] =	vst v63  }
0x48: {  	s30 =	simm.s32 $0x4EC0;
	s31 =	simm.s32 $0xBB30  }
0x49: {  	[tilespmem:s31], [sflag:$0x3] =	stream.indirect.gather [hbm4b:s6+s17], $0x20, s30, s17, $0xb8;
	[tilespmem:$0x16BC0] =	vst v63  }
0x4a: {  	s8 =	simm.s32 $0x2800;
	s29 =	simm.s32 $0x9330  }
0x4b: {  	[tilespmem:s29], [sflag:$0x4] =	stream.indirect.gather [hbm4b:s5+s17], $0x20, s8, s17, $0xb8;
	[tilespmem:$0x16BC0] =	vst v63  }
0x4c: {  	s28 =	simm.s32 $0x0;
	s30 =	simm.s32 $0x4F10;
	s31 =	simm.s32 $0xC530  }
0x4d: {  	[tilespmem:s31], [sflag:$0x4] =	stream.indirect.gather [hbm4b:s6+s17], $0x20, s30, s17, $0xb8;
	[tilespmem:$0x16BC0] =	vst v63  }
.LBB2_6:
0x4e: {  	s29 =	sshra.s32 s28, $0x2  }
0x4f: {  	s30 =	rddreg [dreg:$0x4];
	s31 =	sadd.s32 $0x2850, s29  }
0x50: {  	[tilespmem:s30], [sflag:$0x5] =	stream.indirect.gather [hbm4b:s5+s17], $0x20, s31, s17, $0xb8;
	[tilespmem:$0x16BC0] =	vst v63  }
0x51: {  	s0 =	rddreg [dreg:$0x5];
	s31 =	sadd.s32 $0x4F60, s29  }
0x52: {  	[tilespmem:s0], [sflag:$0x5] =	stream.indirect.gather [hbm4b:s6+s17], $0x20, s31, s17, $0xb8;
	[tilespmem:$0x16BC0] =	vst v63  }
0x53: {  	_ =	swait.ge [sflag:s1], $0xA00  }
0x54: {  	[sflag:s1] =	ssyncset.done $0x0  }
0x55: {  	[sflag:s1] =	ssyncadd.s32 $0xFFFFF600  }
0x56: {  	_ =	swait.ge [sflag:s1], $0xA00  }
0x57: {  	p0 =	seq.s32 s28, $0x0;
	[sflag:s1] =	ssyncset.done $0x0  }
0x58: {  	s0 =	simm.s32 @!p0 $0x6;
	[sflag:s1] =	ssyncadd.s32 $0xFFFFF600  }
0x59: {  	_ =	swait.ge @!p0 [sflag:s0], $0x1900  }
0x5a: {  	[sflag:s0] =	ssyncset.done @!p0 $0x0  }
0x5b: {  	[sflag:s0] =	ssyncadd.s32 @!p0 $0xFFFFE700  }
0x5c: {  	v3 =	vld [tilespmem:s29+$0x2710];
	_ =	sdelay $0x7  }
0x5d: {  	v3 =	vld.idx.msk [tilespmem:v3+s4+$0x0], $0xffff;
	_ =	sdelay $0x4  }
0x5e: {  	v3 =	vadd.s32 v1, v3  }
0x5f: {  	[tilespmem:$0x15630] =	vst v3  }
0x60: {  	v3 =	vld [tilespmem:s29+$0x2720];
	_ =	sdelay $0x7  }
0x61: {  	v3 =	vld.idx.msk [tilespmem:v3+s4+$0x0], $0xffff;
	_ =	sdelay $0x4  }
0x62: {  	v3 =	vadd.s32 v1, v3  }
0x63: {  	[tilespmem:$0x15640] =	vst v3  }
0x64: {  	v3 =	vld [tilespmem:s29+$0x2730];
	_ =	sdelay $0x7  }
0x65: {  	v3 =	vld.idx.msk [tilespmem:v3+s4+$0x0], $0xffff;
	_ =	sdelay $0x4  }
0x66: {  	v3 =	vadd.s32 v1, v3  }
0x67: {  	[tilespmem:$0x15650] =	vst v3  }
0x68: {  	v3 =	vld [tilespmem:s29+$0x2740];
	_ =	sdelay $0x7  }
0x69: {  	v3 =	vld.idx.msk [tilespmem:v3+s4+$0x0], $0xffff;
	_ =	sdelay $0x4  }
0x6a: {  	v3 =	vadd.s32 v1, v3  }
0x6b: {  	[tilespmem:$0x15660] =	vst v3  }
0x6c: {  	v3 =	vld [tilespmem:s29+$0x2750];
	_ =	sdelay $0x7  }
0x6d: {  	v3 =	vld.idx.msk [tilespmem:v3+s4+$0x0], $0xffff;
	_ =	sdelay $0x4  }
0x6e: {  	p1 =	seq.s32 s28, $0x9600;
	v3 =	vadd.s32 v1, v3  }
0x6f: {  	s30 =	sshra.s32 @!p1 s28, $0x2;
	s8 =	rddreg [dreg:$0x6];
	[tilespmem:$0x15670] =	vst v3  }
0x70: {  	[spmem:s3] =	stream.indirect.scatter.add.f32 [tilespmem:s16], [sflag:$0x6], $0x50, s8, s17, $0xb8;
	[tilespmem:$0x16BC0] =	vst v63  }
0x71: {  	s31 =	simm.s32 @!p1 $0x50;
	s0 =	sadd.s32 @!p1 $0x28A0, s30;
	s8 =	simm.s32 @!p1 $0x7530  }
0x72: {  	[tilespmem:s8], [sflag:$0x1] =	stream.indirect.gather @!p1 [hbm4b:s5+s31], $0x20, s0, s31, $0xb8;
	[tilespmem:$0x16BC0] =	vst v63  }
0x73: {  	s0 =	sadd.s32 @!p1 $0x4FB0, s30;
	s8 =	simm.s32 @!p1 $0xA730  }
0x74: {  	[tilespmem:s8], [sflag:$0x1] =	stream.indirect.gather @!p1 [hbm4b:s6+s31], $0x20, s0, s31, $0xb8;
	[tilespmem:$0x16BC0] =	vst v63  }
0x75: {  	_ =	swait.ge [sflag:s2], $0xA00  }
0x76: {  	[sflag:s2] =	ssyncset.done $0x0  }
0x77: {  	[sflag:s2] =	ssyncadd.s32 $0xFFFFF600  }
0x78: {  	_ =	swait.ge [sflag:s2], $0xA00  }
0x79: {  	[sflag:s2] =	ssyncset.done $0x0  }
0x7a: {  	s0 =	simm.s32 @!p0 $0x7;
	[sflag:s2] =	ssyncadd.s32 $0xFFFFF600  }
0x7b: {  	_ =	swait.ge @!p0 [sflag:s0], $0x1900  }
0x7c: {  	[sflag:s0] =	ssyncset.done @!p0 $0x0  }
0x7d: {  	[sflag:s0] =	ssyncadd.s32 @!p0 $0xFFFFE700  }
0x7e: {  	v3 =	vld [tilespmem:s29+$0x2760];
	_ =	sdelay $0x7  }
0x7f: {  	v3 =	vld.idx.msk [tilespmem:v3+s4+$0x0], $0xffff;
	_ =	sdelay $0x4  }
0x80: {  	v3 =	vadd.s32 v1, v3  }
0x81: {  	[tilespmem:$0x15680] =	vst v3  }
0x82: {  	v3 =	vld [tilespmem:s29+$0x2770];
	_ =	sdelay $0x7  }
0x83: {  	v3 =	vld.idx.msk [tilespmem:v3+s4+$0x0], $0xffff;
	_ =	sdelay $0x4  }
0x84: {  	v3 =	vadd.s32 v1, v3  }
0x85: {  	[tilespmem:$0x15690] =	vst v3  }
0x86: {  	v3 =	vld [tilespmem:s29+$0x2780];
	_ =	sdelay $0x7  }
0x87: {  	v3 =	vld.idx.msk [tilespmem:v3+s4+$0x0], $0xffff;
	_ =	sdelay $0x4  }
0x88: {  	v3 =	vadd.s32 v1, v3  }
0x89: {  	[tilespmem:$0x156A0] =	vst v3  }
0x8a: {  	v3 =	vld [tilespmem:s29+$0x2790];
	_ =	sdelay $0x7  }
0x8b: {  	v3 =	vld.idx.msk [tilespmem:v3+s4+$0x0], $0xffff;
	_ =	sdelay $0x4  }
0x8c: {  	v3 =	vadd.s32 v1, v3  }
0x8d: {  	[tilespmem:$0x156B0] =	vst v3  }
0x8e: {  	v3 =	vld [tilespmem:s29+$0x27A0];
	_ =	sdelay $0x7  }
0x8f: {  	v3 =	vld.idx.msk [tilespmem:v3+s4+$0x0], $0xffff;
	_ =	sdelay $0x4  }
0x90: {  	s8 =	rddreg [dreg:$0x8];
	v3 =	vadd.s32 v1, v3  }
0x91: {  	s0 =	rddreg [dreg:$0x7];
	[tilespmem:$0x156C0] =	vst v3  }
0x92: {  	[spmem:s3] =	stream.indirect.scatter.add.f32 [tilespmem:s8], [sflag:$0x7], $0x50, s0, s17, $0xb8;
	[tilespmem:$0x16BC0] =	vst v63  }
0x93: {  	s0 =	sadd.s32 @!p1 $0x28F0, s30;
	s8 =	simm.s32 @!p1 $0x7F30  }
0x94: {  	[tilespmem:s8], [sflag:$0x2] =	stream.indirect.gather @!p1 [hbm4b:s5+s31], $0x20, s0, s31, $0xb8;
	[tilespmem:$0x16BC0] =	vst v63  }
0x95: {  	s0 =	sadd.s32 @!p1 $0x5000, s30;
	s8 =	simm.s32 @!p1 $0xB130  }
0x96: {  	[tilespmem:s8], [sflag:$0x2] =	stream.indirect.gather @!p1 [hbm4b:s6+s31], $0x20, s0, s31, $0xb8;
	[tilespmem:$0x16BC0] =	vst v63  }
0x97: {  	_ =	swait.ge [sflag:s18], $0xA00  }
0x98: {  	[sflag:s18] =	ssyncset.done $0x0  }
0x99: {  	[sflag:s18] =	ssyncadd.s32 $0xFFFFF600  }
0x9a: {  	_ =	swait.ge [sflag:s18], $0xA00  }
0x9b: {  	[sflag:s18] =	ssyncset.done $0x0  }
0x9c: {  	s0 =	simm.s32 @!p0 $0x8;
	[sflag:s18] =	ssyncadd.s32 $0xFFFFF600  }
0x9d: {  	_ =	swait.ge @!p0 [sflag:s0], $0x1900  }
0x9e: {  	[sflag:s0] =	ssyncset.done @!p0 $0x0  }
0x9f: {  	[sflag:s0] =	ssyncadd.s32 @!p0 $0xFFFFE700  }
0xa0: {  	v3 =	vld [tilespmem:s29+$0x27B0];
	_ =	sdelay $0x7  }
0xa1: {  	v3 =	vld.idx.msk [tilespmem:v3+s4+$0x0], $0xffff;
	_ =	sdelay $0x4  }
0xa2: {  	v3 =	vadd.s32 v1, v3  }
0xa3: {  	[tilespmem:$0x156D0] =	vst v3  }
0xa4: {  	v3 =	vld [tilespmem:s29+$0x27C0];
	_ =	sdelay $0x7  }
0xa5: {  	v3 =	vld.idx.msk [tilespmem:v3+s4+$0x0], $0xffff;
	_ =	sdelay $0x4  }
0xa6: {  	v3 =	vadd.s32 v1, v3  }
0xa7: {  	[tilespmem:$0x156E0] =	vst v3  }
0xa8: {  	v3 =	vld [tilespmem:s29+$0x27D0];
	_ =	sdelay $0x7  }
0xa9: {  	v3 =	vld.idx.msk [tilespmem:v3+s4+$0x0], $0xffff;
	_ =	sdelay $0x4  }
0xaa: {  	v3 =	vadd.s32 v1, v3  }
0xab: {  	[tilespmem:$0x156F0] =	vst v3  }
0xac: {  	v3 =	vld [tilespmem:s29+$0x27E0];
	_ =	sdelay $0x7  }
0xad: {  	v3 =	vld.idx.msk [tilespmem:v3+s4+$0x0], $0xffff;
	_ =	sdelay $0x4  }
0xae: {  	v3 =	vadd.s32 v1, v3  }
0xaf: {  	[tilespmem:$0x15700] =	vst v3  }
0xb0: {  	v3 =	vld [tilespmem:s29+$0x27F0];
	_ =	sdelay $0x7  }
0xb1: {  	v3 =	vld.idx.msk [tilespmem:v3+s4+$0x0], $0xffff;
	_ =	sdelay $0x4  }
0xb2: {  	s8 =	rddreg [dreg:$0xa];
	v3 =	vadd.s32 v1, v3  }
0xb3: {  	s0 =	rddreg [dreg:$0x9];
	[tilespmem:$0x15710] =	vst v3  }
0xb4: {  	[spmem:s3] =	stream.indirect.scatter.add.f32 [tilespmem:s8], [sflag:$0x8], $0x50, s0, s17, $0xb8;
	[tilespmem:$0x16BC0] =	vst v63  }
0xb5: {  	s0 =	sadd.s32 @!p1 $0x2940, s30;
	s8 =	simm.s32 @!p1 $0x8930  }
0xb6: {  	[tilespmem:s8], [sflag:$0x3] =	stream.indirect.gather @!p1 [hbm4b:s5+s31], $0x20, s0, s31, $0xb8;
	[tilespmem:$0x16BC0] =	vst v63  }
0xb7: {  	s0 =	sadd.s32 @!p1 $0x5050, s30;
	s8 =	simm.s32 @!p1 $0xBB30  }
0xb8: {  	[tilespmem:s8], [sflag:$0x3] =	stream.indirect.gather @!p1 [hbm4b:s6+s31], $0x20, s0, s31, $0xb8;
	[tilespmem:$0x16BC0] =	vst v63  }
0xb9: {  	_ =	swait.ge [sflag:s19], $0xA00  }
0xba: {  	[sflag:s19] =	ssyncset.done $0x0  }
0xbb: {  	[sflag:s19] =	ssyncadd.s32 $0xFFFFF600  }
0xbc: {  	_ =	swait.ge [sflag:s19], $0xA00  }
0xbd: {  	[sflag:s19] =	ssyncset.done $0x0  }
0xbe: {  	s0 =	simm.s32 @!p0 $0x9;
	[sflag:s19] =	ssyncadd.s32 $0xFFFFF600  }
0xbf: {  	_ =	swait.ge @!p0 [sflag:s0], $0x1900  }
0xc0: {  	[sflag:s0] =	ssyncset.done @!p0 $0x0  }
0xc1: {  	[sflag:s0] =	ssyncadd.s32 @!p0 $0xFFFFE700  }
0xc2: {  	v3 =	vld [tilespmem:s29+$0x2800];
	_ =	sdelay $0x7  }
0xc3: {  	v3 =	vld.idx.msk [tilespmem:v3+s4+$0x0], $0xffff;
	_ =	sdelay $0x4  }
0xc4: {  	v3 =	vadd.s32 v1, v3  }
0xc5: {  	[tilespmem:$0x15720] =	vst v3  }
0xc6: {  	v3 =	vld [tilespmem:s29+$0x2810];
	_ =	sdelay $0x7  }
0xc7: {  	v3 =	vld.idx.msk [tilespmem:v3+s4+$0x0], $0xffff;
	_ =	sdelay $0x4  }
0xc8: {  	v3 =	vadd.s32 v1, v3  }
0xc9: {  	[tilespmem:$0x15730] =	vst v3  }
0xca: {  	v3 =	vld [tilespmem:s29+$0x2820];
	_ =	sdelay $0x7  }
0xcb: {  	v3 =	vld.idx.msk [tilespmem:v3+s4+$0x0], $0xffff;
	_ =	sdelay $0x4  }
0xcc: {  	v3 =	vadd.s32 v1, v3  }
0xcd: {  	[tilespmem:$0x15740] =	vst v3  }
0xce: {  	v3 =	vld [tilespmem:s29+$0x2830];
	_ =	sdelay $0x7  }
0xcf: {  	v3 =	vld.idx.msk [tilespmem:v3+s4+$0x0], $0xffff;
	_ =	sdelay $0x4  }
0xd0: {  	v3 =	vadd.s32 v1, v3  }
0xd1: {  	[tilespmem:$0x15750] =	vst v3  }
0xd2: {  	v3 =	vld [tilespmem:s29+$0x2840];
	_ =	sdelay $0x7  }
0xd3: {  	v3 =	vld.idx.msk [tilespmem:v3+s4+$0x0], $0xffff;
	_ =	sdelay $0x4  }
0xd4: {  	s8 =	rddreg [dreg:$0xc];
	v3 =	vadd.s32 v1, v3  }
0xd5: {  	s0 =	rddreg [dreg:$0xb];
	[tilespmem:$0x15760] =	vst v3  }
0xd6: {  	[spmem:s3] =	stream.indirect.scatter.add.f32 [tilespmem:s8], [sflag:$0x9], $0x50, s0, s17, $0xb8;
	[tilespmem:$0x16BC0] =	vst v63  }
0xd7: {  	s0 =	sadd.s32 @!p1 $0x2990, s30;
	s8 =	simm.s32 @!p1 $0x9330  }
0xd8: {  	[tilespmem:s8], [sflag:$0x4] =	stream.indirect.gather @!p1 [hbm4b:s5+s31], $0x20, s0, s31, $0xb8;
	[tilespmem:$0x16BC0] =	vst v63  }
0xd9: {  	s0 =	sadd.s32 @!p1 $0x50A0, s30;
	s8 =	simm.s32 @!p1 $0xC530  }
0xda: {  	[tilespmem:s8], [sflag:$0x4] =	stream.indirect.gather @!p1 [hbm4b:s6+s31], $0x20, s0, s31, $0xb8;
	[tilespmem:$0x16BC0] =	vst v63  }
0xdb: {  	_ =	swait.ge [sflag:s20], $0xA00  }
0xdc: {  	[sflag:s20] =	ssyncset.done $0x0  }
0xdd: {  	[sflag:s20] =	ssyncadd.s32 $0xFFFFF600  }
0xde: {  	_ =	swait.ge [sflag:s20], $0xA00  }
0xdf: {  	[sflag:s20] =	ssyncset.done $0x0  }
0xe0: {  	s0 =	simm.s32 @!p0 $0xA;
	[sflag:s20] =	ssyncadd.s32 $0xFFFFF600  }
0xe1: {  	_ =	swait.ge @!p0 [sflag:s0], $0x1900  }
0xe2: {  	[sflag:s0] =	ssyncset.done @!p0 $0x0  }
0xe3: {  	[sflag:s0] =	ssyncadd.s32 @!p0 $0xFFFFE700  }
0xe4: {  	v3 =	vld [tilespmem:s29+$0x2850];
	_ =	sdelay $0x7  }
0xe5: {  	v3 =	vld.idx.msk [tilespmem:v3+s4+$0x0], $0xffff;
	_ =	sdelay $0x4  }
0xe6: {  	v3 =	vadd.s32 v1, v3  }
0xe7: {  	[tilespmem:$0x15770] =	vst v3  }
0xe8: {  	v3 =	vld [tilespmem:s29+$0x2860];
	_ =	sdelay $0x7  }
0xe9: {  	v3 =	vld.idx.msk [tilespmem:v3+s4+$0x0], $0xffff;
	_ =	sdelay $0x4  }
0xea: {  	v3 =	vadd.s32 v1, v3  }
0xeb: {  	[tilespmem:$0x15780] =	vst v3  }
0xec: {  	v3 =	vld [tilespmem:s29+$0x2870];
	_ =	sdelay $0x7  }
0xed: {  	v3 =	vld.idx.msk [tilespmem:v3+s4+$0x0], $0xffff;
	_ =	sdelay $0x4  }
0xee: {  	v3 =	vadd.s32 v1, v3  }
0xef: {  	[tilespmem:$0x15790] =	vst v3  }
0xf0: {  	v3 =	vld [tilespmem:s29+$0x2880];
	_ =	sdelay $0x7  }
0xf1: {  	v3 =	vld.idx.msk [tilespmem:v3+s4+$0x0], $0xffff;
	_ =	sdelay $0x4  }
0xf2: {  	v3 =	vadd.s32 v1, v3  }
0xf3: {  	[tilespmem:$0x157A0] =	vst v3  }
0xf4: {  	v3 =	vld [tilespmem:s29+$0x2890];
	_ =	sdelay $0x7  }
0xf5: {  	v3 =	vld.idx.msk [tilespmem:v3+s4+$0x0], $0xffff  }
0xf6: {  	s28 =	sadd.s32 $0x640, s28  }
0xf7: {  	p0 =	sne.s32 s28, $0x9C40  }
.Ltmp2:
0xf8: {  	_ = 	snop;
	(pc) =	sbr.rel @p0 .LBB2_6-.Ltmp2, $4  }
0xf9: {  	_ = 	snop  }
0xfa: {  	s30 =	rddreg [dreg:$0xd];
	v3 =	vadd.s32 v1, v3  }
0xfb: {  	s31 =	rddreg [dreg:$0xe];
	[tilespmem:$0x157B0] =	vst v3  }
0xfc: {  	[spmem:s3] =	stream.indirect.scatter.add.f32 [tilespmem:s31], [sflag:$0xA], $0x50, s30, s17, $0xb8;
	[tilespmem:$0x16BC0] =	vst v63  }
0xfd: {  	_ =	swait.ge [sflag:s21], $0x1900  }
0xfe: {  	[sflag:s21] =	ssyncset.done $0x0  }
0xff: {  	[sflag:s21] =	ssyncadd.s32 $0xFFFFE700  }
0x100: {  	_ =	swait.ge [sflag:s22], $0x1900  }
0x101: {  	[sflag:s22] =	ssyncset.done $0x0  }
0x102: {  	[sflag:s22] =	ssyncadd.s32 $0xFFFFE700  }
0x103: {  	_ =	swait.ge [sflag:s23], $0x1900  }
0x104: {  	[sflag:s23] =	ssyncset.done $0x0  }
0x105: {  	[sflag:s23] =	ssyncadd.s32 $0xFFFFE700  }
0x106: {  	_ =	swait.ge [sflag:s24], $0x1900  }
0x107: {  	[sflag:s24] =	ssyncset.done $0x0  }
0x108: {  	[sflag:s24] =	ssyncadd.s32 $0xFFFFE700  }
0x109: {  	s26 =	sadd.s32 $0x1, s26;
	_ =	swait.ge [sflag:s25], $0x1900  }
0x10a: {  	s0 =	sor.u32 $0x1C0B, s7;
	p0 =	sne.s32 s26, s12;
	[sflag:s25] =	ssyncset.done $0x0  }
.Ltmp3:
0x10b: {  	s8 =	sshrl.u32 s10, $0x3;
	[sflag:s25] =	ssyncadd.s32 $0xFFFFE700;
	(pc) =	sbr.rel @p0 .LBB2_1-.Ltmp3, $4  }
0x10c: {  	[hbm:s11], [sflag:s0] =	dma.local [spmem:s8], $0x280  }
0x10d: {  	_ =	swait.ge [sflag:s13], $0x280  }
0x10e: {  	[sflag:s13] =	ssyncset.done $0x0  }
0x10f: {  	[sflag:s13] =	ssyncadd.s32 $0xFFFFFD80  }
0x110: {  	_ =	sfence.sel $0x180000  }
0x111: {  	[bflag:$0x0] =	sbarrier.arrive $0xFFFF  }
0x112: {  	_ =	strace $0x90000047  }
0x113: {  	s0 =	stileid.u32;
	[bflag:$0x2] =	sbarrier.arrive $0xFFFF  }
0x114: {  	p0 =	sne.s32 s0, $0x0;
	s0 =	rddreg [dreg:$0x3]  }
0x115: {  	s0 =	sadd.s32 @!p0 $0x100000, s0  }
0x116: {  	[sflag:s0] =	ssyncadd.tile.s32 @!p0 $0x1;
	_ =	shalt  }
.Lfunc_end2:
_tile_overlayer_lowered:
.L_overlay_start_2:
0x117: {  	(tag) =	ssettag $0x2  }
0x118: {  	s0 =	rddreg [dreg:$0x0];
	s2 =	stileid.u32  }
0x119: {  	s1 =	rddreg [dreg:$0x1];
	p0 =	sne.s32 s2, $0x0  }
0x11a: {  	s3 =	rddreg [dreg:$0x2];
	[bflag:$0x3] =	sbarrier.arrive $0xFFFF;
	s2 =	simm.s32 @!p0 $0x1C0B  }
0x11b: {  	[timem:s3], [sflag:s2] =	dma.local @!p0 [hbm:s0], s1  }
0x11c: {  	s0 =	simm.s32 @!p0 $0xB  }
0x11d: {  	_ =	swait.ge @!p0 [sflag:s0], s1  }
0x11e: {  	s1 =	ssub.s32 @!p0 $0x0, s1;
	[sflag:s0] =	ssyncset.done @!p0 $0x0  }
0x11f: {  	[sflag:s0] =	ssyncadd.s32 @!p0 s1  }
0x120: {  	[bflag:$0x3] =	sbarrier.arrive $0xFFFF  }
0x121: {  	_ =	shalt  }

</sc_bundles>
